<compile_context>
chip_gen: v7x
topology: tpu7x:2x2x1
jax: 0.10.2.dev20260603
libtpu: 0.0.44.dev20260713+nightly
codegen_flags: <defaults>
</compile_context>

<pallas_src>
import functools

import jax
import jax.numpy as jnp
from jax import lax
from jax.experimental import pallas as pl
from jax.experimental.pallas import tpu as pltpu
from jax.experimental.pallas import tpu_sc as plsc

_EPS = 1e-5
_NC = 2
_NS = 16



def _sc_gather(x_pad, row2d):
    npad, dp = x_pad.shape
    nchunks = row2d.shape[0]
    ch = 128
    per_t = nchunks // (_NC * _NS)
    epad = nchunks * ch
    nb = 2
    rpt = npad // _NS
    mesh = plsc.VectorSubcoreMesh(core_axis_name="c", subcore_axis_name="s")

    @functools.partial(
        pl.kernel,
        out_type=jax.ShapeDtypeStruct((epad, dp), jnp.float32),
        mesh=mesh,
        scratch_types=[
            pltpu.VMEM_SHARED((npad, dp), jnp.float32),
            pltpu.VMEM((per_t, ch), jnp.int32),
            [pltpu.VMEM((ch, dp), jnp.float32)] * nb,
            [pltpu.SemaphoreType.DMA] * nb,
            [pltpu.SemaphoreType.DMA] * nb,
        ],
    )
    def gather_kernel(x_hbm, row_hbm, out_hbm, x_sp, ridx, bufs,
                      gsems, wsems):
        c = lax.axis_index("c")
        s = lax.axis_index("s")
        r0 = pl.multiple_of(s * rpt, 8)
        pltpu.sync_copy(x_hbm.at[pl.ds(r0, rpt)], x_sp.at[pl.ds(r0, rpt)])
        c0 = pl.multiple_of(((s * _NC + c)) * per_t, 8)
        pltpu.sync_copy(row_hbm.at[pl.ds(c0, per_t)], ridx)
        plsc.subcore_barrier()

        def gather_src(j):
            return x_sp.at[ridx.at[j]]

        for p in range(nb):
            pltpu.async_copy(gather_src(p), bufs[p], gsems[p])

        def step(g, carry):
            for p in range(nb):
                j = g * nb + p
                off = pl.multiple_of((c0 + j) * ch, 8)
                pltpu.make_async_copy(gather_src(j), bufs[p],
                                      gsems[p]).wait()
                pltpu.async_copy(bufs[p], out_hbm.at[pl.ds(off, ch)],
                                 wsems[p])
            for p in range(nb):
                j = g * nb + p
                off = pl.multiple_of((c0 + j) * ch, 8)
                pltpu.make_async_copy(bufs[p], out_hbm.at[pl.ds(off, ch)],
                                      wsems[p]).wait()

                @pl.when(j + nb < per_t)
                def _():
                    pltpu.async_copy(gather_src(j + nb), bufs[p], gsems[p])
            return carry

        lax.fori_loop(0, per_t // nb, step, 0)

    return gather_kernel(x_pad, row2d)



def _sc_scatter(h2a, h2b, col_pad, col2d, n):
    epad = h2a.shape[0]
    hw = h2a.shape[1]
    ch = 128
    nchunks = epad // ch
    n_chunks = nchunks // _NS
    cn_chunks = nchunks // (_NC * _NS)
    rpt = n // _NS
    nb = 2
    mesh = plsc.VectorSubcoreMesh(core_axis_name="c", subcore_axis_name="s")

    zeros_h = jnp.zeros((n, hw), jnp.float32)
    ones_h = jnp.ones((ch, 128), jnp.float32)

    @functools.partial(
        pl.kernel,
        out_type=[
            jax.ShapeDtypeStruct((n, hw), jnp.float32),
            jax.ShapeDtypeStruct((n, hw), jnp.float32),
            jax.ShapeDtypeStruct((n, 128), jnp.float32),
            jax.ShapeDtypeStruct((n, 128), jnp.float32),
        ],
        mesh=mesh,
        scratch_types=[
            pltpu.VMEM_SHARED((n, hw), jnp.float32),
            [pltpu.VMEM((ch,), jnp.int32)] * nb,
            pltpu.VMEM((cn_chunks, ch), jnp.int32),
            [pltpu.VMEM((ch, hw), jnp.float32)] * nb,
            [pltpu.SemaphoreType.DMA] * nb,
            [pltpu.SemaphoreType.DMA] * nb,
            [pltpu.SemaphoreType.DMA] * nb,
        ],
    )
    def scatter_kernel(h2a_hbm, h2b_hbm, col_hbm, col2d_hbm, zh_hbm, ones_hbm,
                       sa_hbm, sb_hbm, cnta_hbm, cntb_hbm,
                       s_sp, cidx, cidx2, bufs, isems, lsems, ssems):
        c = lax.axis_index("c")
        s = lax.axis_index("s")
        r0 = pl.multiple_of(s * rpt, 8)
        pltpu.sync_copy(zh_hbm.at[pl.ds(r0, rpt)], s_sp.at[pl.ds(r0, rpt)])
        c0 = s * n_chunks

        def cidx_src(j):
            off = pl.multiple_of((c0 + j) * ch, 8)
            return col_hbm.at[pl.ds(off, ch)]

        plsc.subcore_barrier()

        def do_edges(h2_hbm):
            def buf_src(j):
                off = pl.multiple_of((c0 + j) * ch, 8)
                return h2_hbm.at[pl.ds(off, ch)]

            for p in range(nb):
                pltpu.async_copy(cidx_src(p), cidx[p], isems[p])
                pltpu.async_copy(buf_src(p), bufs[p], lsems[p])

            def step(g, carry):
                descs = []
                for p in range(nb):
                    j = g * nb + p
                    pltpu.make_async_copy(cidx_src(j), cidx[p],
                                          isems[p]).wait()
                    pltpu.make_async_copy(buf_src(j), bufs[p],
                                          lsems[p]).wait()
                    descs.append(pltpu.async_copy(
                        bufs[p], s_sp.at[cidx[p]], ssems[p], add=True))
                for p in range(nb):
                    j = g * nb + p
                    descs[p].wait()

                    @pl.when(j + nb < n_chunks)
                    def _():
                        pltpu.async_copy(cidx_src(j + nb), cidx[p], isems[p])
                        pltpu.async_copy(buf_src(j + nb), bufs[p], lsems[p])
                return carry

            lax.fori_loop(0, n_chunks // nb, step, 0)

        @pl.when(c == 0)
        def _():
            do_edges(h2a_hbm)

        @pl.when(c == 1)
        def _():
            do_edges(h2b_hbm)

        plsc.subcore_barrier()

        @pl.when(c == 0)
        def _():
            pltpu.sync_copy(s_sp.at[pl.ds(r0, rpt)], sa_hbm.at[pl.ds(r0, rpt)])

        @pl.when(c == 1)
        def _():
            pltpu.sync_copy(s_sp.at[pl.ds(r0, rpt)], sb_hbm.at[pl.ds(r0, rpt)])

        pltpu.sync_copy(zh_hbm.at[pl.ds(r0, rpt)], s_sp.at[pl.ds(r0, rpt)])
        pltpu.sync_copy(ones_hbm, bufs[0])
        cb = pl.multiple_of((c * _NS + s) * cn_chunks, 8)
        pltpu.sync_copy(col2d_hbm.at[pl.ds(cb, cn_chunks)], cidx2)
        plsc.subcore_barrier()

        def step2(g, carry):
            descs = []
            for p in range(nb):
                j = g * nb + p
                descs.append(pltpu.async_copy(
                    bufs[0], s_sp.at[cidx2.at[j]], ssems[p], add=True))
            for p in range(nb):
                descs[p].wait()
            return carry

        lax.fori_loop(0, cn_chunks // nb, step2, 0)
        plsc.subcore_barrier()

        @pl.when(c == 0)
        def _():
            pltpu.sync_copy(s_sp.at[pl.ds(r0, rpt)],
                            cnta_hbm.at[pl.ds(r0, rpt)])

        @pl.when(c == 1)
        def _():
            pltpu.sync_copy(s_sp.at[pl.ds(r0, rpt)],
                            cntb_hbm.at[pl.ds(r0, rpt)])

    return scatter_kernel(h2a, h2b, col_pad, col2d, zeros_h, ones_h)



def _tc_pass1(xg, ea, wx, we, b1a):
    e = ea.shape[0]
    dp = xg.shape[1]
    h = we.shape[1]
    blk = 2560
    grid = e // blk

    def body(xg_ref, ea_ref, wx_ref, we_ref, b_ref, h1_ref, stat_ref):
        i = pl.program_id(0)
        bf = jnp.bfloat16
        acc = jnp.dot(xg_ref[...].astype(bf), wx_ref[...].astype(bf),
                      preferred_element_type=jnp.float32)
        acc += jnp.dot(ea_ref[...].astype(bf), we_ref[...].astype(bf),
                       preferred_element_type=jnp.float32)
        acc += b_ref[...]
        h1_ref[...] = acc.astype(jnp.bfloat16)
        blk_stat = jnp.concatenate(
            [jnp.sum(acc, axis=0, keepdims=True),
             jnp.sum(acc * acc, axis=0, keepdims=True)], axis=0)

        @pl.when(i == 0)
        def _():
            stat_ref[...] = blk_stat

        @pl.when(i > 0)
        def _():
            stat_ref[...] += blk_stat

    return pl.pallas_call(
        body,
        grid=(grid,),
        in_specs=[
            pl.BlockSpec((blk, dp), lambda i: (i, 0)),
            pl.BlockSpec((blk, h), lambda i: (i, 0)),
            pl.BlockSpec((dp, h), lambda i: (0, 0)),
            pl.BlockSpec((h, h), lambda i: (0, 0)),
            pl.BlockSpec((1, h), lambda i: (0, 0)),
        ],
        out_specs=[
            pl.BlockSpec((blk, h), lambda i: (i, 0)),
            pl.BlockSpec((2, h), lambda i: (0, 0)),
        ],
        out_shape=[
            jax.ShapeDtypeStruct((e, h), jnp.bfloat16),
            jax.ShapeDtypeStruct((2, h), jnp.float32),
        ],
        compiler_params=pltpu.CompilerParams(
            dimension_semantics=("arbitrary",)),
    )(xg, ea, wx, we, b1a)



def _tc_pass2(h1, stat1, g1a, be1a, w1b, b1b, epad):
    e, h = h1.shape
    hw = h // 2
    blk = 2560
    grid = e // blk
    inv_e = 1.0 / e

    def body(h1_ref, st1_ref, g_ref, be_ref, w_ref, b_ref,
             h2a_ref, h2b_ref, stat_ref):
        i = pl.program_id(0)
        mean = st1_ref[0:1, :] * inv_e
        var = st1_ref[1:2, :] * inv_e - mean * mean
        scale = g_ref[...] * lax.rsqrt(var + _EPS)
        shift = be_ref[...] - mean * scale
        a = jnp.maximum(h1_ref[...].astype(jnp.float32) * scale + shift, 0.0)
        h2 = jnp.dot(a.astype(jnp.bfloat16), w_ref[...].astype(jnp.bfloat16),
                     preferred_element_type=jnp.float32)
        h2 += b_ref[...]
        h2a_ref[...] = h2[:, :hw]
        h2b_ref[...] = h2[:, hw:]
        blk_stat = jnp.concatenate(
            [jnp.sum(h2, axis=0, keepdims=True),
             jnp.sum(h2 * h2, axis=0, keepdims=True)], axis=0)

        @pl.when(i == 0)
        def _():
            stat_ref[...] = blk_stat

        @pl.when(i > 0)
        def _():
            stat_ref[...] += blk_stat

    return pl.pallas_call(
        body,
        grid=(grid,),
        in_specs=[
            pl.BlockSpec((blk, h), lambda i: (i, 0)),
            pl.BlockSpec((2, h), lambda i: (0, 0)),
            pl.BlockSpec((1, h), lambda i: (0, 0)),
            pl.BlockSpec((1, h), lambda i: (0, 0)),
            pl.BlockSpec((h, h), lambda i: (0, 0)),
            pl.BlockSpec((1, h), lambda i: (0, 0)),
        ],
        out_specs=[
            pl.BlockSpec((blk, hw), lambda i: (i, 0)),
            pl.BlockSpec((blk, hw), lambda i: (i, 0)),
            pl.BlockSpec((2, h), lambda i: (0, 0)),
        ],
        out_shape=[
            jax.ShapeDtypeStruct((epad, hw), jnp.float32),
            jax.ShapeDtypeStruct((epad, hw), jnp.float32),
            jax.ShapeDtypeStruct((2, h), jnp.float32),
        ],
        compiler_params=pltpu.CompilerParams(
            dimension_semantics=("arbitrary",)),
    )(h1, stat1, g1a, be1a, w1b, b1b)



def _tc_node(x_pad, sa, sb, cnta, cntb, stat2, n_edges,
             g1b, be1b, w2x, w2agg, b2a, g2a, be2a, w2b, b2b, g2b, be2b):
    n = x_pad.shape[0]
    h = sa.shape[1] * 2
    inv_e = 1.0 / n_edges
    inv_n = 1.0 / n

    def body(x_ref, sa_ref, sb_ref, cnta_ref, cntb_ref, st2_ref,
             g1b_ref, be1b_ref, w2x_ref, w2agg_ref, b2a_ref,
             g2a_ref, be2a_ref, w2b_ref, b2b_ref, g2b_ref, be2b_ref,
             out_ref):
        mean2 = st2_ref[0:1, :] * inv_e
        var2 = st2_ref[1:2, :] * inv_e - mean2 * mean2
        sc2 = g1b_ref[...] * lax.rsqrt(var2 + _EPS)
        sh2 = be1b_ref[...] - mean2 * sc2
        n = x_ref.shape[0]
        cnt = cnta_ref[:n, 0:1] + cntb_ref[:n, 0:1]
        cclip = jnp.maximum(cnt, 1.0)
        summed = jnp.concatenate([sa_ref[:n, :], sb_ref[:n, :]], axis=1)
        agg = (summed / cclip) * sc2 + sh2
        agg = jnp.where(cnt > 0.0, agg, 0.0)

        hh = jnp.dot(x_ref[...], w2x_ref[...], preferred_element_type=jnp.float32)
        hh += jnp.dot(agg, w2agg_ref[...], preferred_element_type=jnp.float32)
        hh += b2a_ref[...]
        m = jnp.mean(hh, axis=0, keepdims=True)
        v = jnp.mean((hh - m) * (hh - m), axis=0, keepdims=True)
        hh = g2a_ref[...] * (hh - m) * lax.rsqrt(v + _EPS) + be2a_ref[...]
        hh = jnp.maximum(hh, 0.0)
        h2 = jnp.dot(hh, w2b_ref[...], preferred_element_type=jnp.float32)
        h2 += b2b_ref[...]
        m2 = jnp.mean(h2, axis=0, keepdims=True)
        v2 = jnp.mean((h2 - m2) * (h2 - m2), axis=0, keepdims=True)
        out_ref[...] = (g2b_ref[...] * (h2 - m2) * lax.rsqrt(v2 + _EPS)
                        + be2b_ref[...])

    return pl.pallas_call(
        body,
        out_shape=jax.ShapeDtypeStruct((n, h), jnp.float32),
        compiler_params=pltpu.CompilerParams(
            vmem_limit_bytes=120 * 1024 * 1024),
    )(x_pad, sa, sb, cnta, cntb, stat2, g1b, be1b, w2x, w2agg, b2a,
      g2a, be2a, w2b, b2b, g2b, be2b)



def kernel(x, edge_index, edge_attr, u, batch,
           W1a, b1a, g1a, be1a, W1b, b1b, g1b, be1b,
           W2a, b2a, g2a, be2a, W2b, b2b, g2b, be2b):
    n, d = x.shape
    e, h = edge_attr.shape
    dp = 128

    row = edge_index[0]
    col = edge_index[1]
    x_pad = jnp.concatenate([x, jnp.zeros((n, dp - d), x.dtype)], axis=1)
    wx = jnp.concatenate([W1a[:d], jnp.zeros((dp - d, h), W1a.dtype)], axis=0)
    we = W1a[d:]
    w2x = jnp.concatenate([W2a[:d], jnp.zeros((dp - d, h), W2a.dtype)], axis=0)
    w2agg = W2a[d:]
    r2 = lambda a: a.reshape(1, h)

    npad = ((n + _NS * 80 - 1) // (_NS * 80)) * (_NS * 80)
    epad = ((e + 128 * 32 * 4 - 1) // (128 * 32 * 4)) * (128 * 32 * 4)
    row_pad = jnp.concatenate([row, jnp.zeros((epad - e,), jnp.int32)])
    dummy = n + jnp.arange(epad - e, dtype=jnp.int32) % (npad - n)
    col_pad = jnp.concatenate([col, dummy])
    row2d = row_pad.reshape(epad // 128, 128)
    col2d = col_pad.reshape(epad // 128, 128)
    x_pad_n = jnp.concatenate(
        [x_pad, jnp.zeros((npad - n, dp), x.dtype)], axis=0)
    xg = _sc_gather(x_pad_n, row2d)
    h1, stat1 = _tc_pass1(xg, edge_attr, wx, we, r2(b1a))
    h2a, h2b, stat2 = _tc_pass2(h1, stat1, r2(g1a), r2(be1a), W1b, r2(b1b),
                                epad)
    sa, sb, cnta, cntb = _sc_scatter(h2a, h2b, col_pad, col2d, npad)
    return _tc_node(x_pad, sa, sb, cnta, cntb, stat2, float(e),
                    r2(g1b), r2(be1b), w2x, w2agg, r2(b2a),
                    r2(g2a), r2(be2a), W2b, r2(b2b), r2(g2b), r2(be2b))

# --- scband reference (transcript-rebuilt; emitter-appended) ---
"""Pipeline reference for scband-node-block-74096775790912 (READ-ONLY COPY).

The authoritative reference and input builder live on the scoring server;
editing this copy changes nothing except your own understanding.
"""

import jax, jax.numpy as jnp
import numpy as np

N_NODES = 10000
N_EDGES = 320000
D_IN = 74
HIDDEN = 256


def _bn(h, gamma, beta, eps=1e-5):
    mean = jnp.mean(h, axis=0)
    var = jnp.mean((h - mean) ** 2, axis=0)
    return gamma * (h - mean) / jnp.sqrt(var + eps) + beta


def _lin_init(key, fan_in, fan_out):
    k1, k2 = jax.random.split(key)
    bound = 1.0 / np.sqrt(fan_in)
    W = jax.random.uniform(k1, (fan_in, fan_out), jnp.float32, -bound, bound)
    b = jax.random.uniform(k2, (fan_out,), jnp.float32, -bound, bound)
    return W, b


def setup_inputs(seed: int = 0):
    key = jax.random.key(seed)
    ks = jax.random.split(key, 10)
    x = jax.random.normal(ks[0], (N_NODES, D_IN), jnp.float32)
    edge_index = jax.random.randint(ks[1], (2, N_EDGES), 0, N_NODES, jnp.int32)
    edge_attr = jax.random.normal(ks[2], (N_EDGES, HIDDEN), jnp.float32)
    u = jax.random.normal(ks[3], (1, 16), jnp.float32)
    batch = jnp.zeros((N_NODES,), jnp.int32)
    W1a, b1a = _lin_init(ks[4], D_IN + HIDDEN, HIDDEN)
    W1b, b1b = _lin_init(ks[5], HIDDEN, HIDDEN)
    W2a, b2a = _lin_init(ks[6], D_IN + HIDDEN, HIDDEN)
    W2b, b2b = _lin_init(ks[7], HIDDEN, HIDDEN)
    ones = jnp.ones((HIDDEN,), jnp.float32)
    zeros = jnp.zeros((HIDDEN,), jnp.float32)
    return {
        "x": x, "edge_index": edge_index, "edge_attr": edge_attr, "u": u, "batch": batch,
        "W1a": W1a, "b1a": b1a, "g1a": ones, "be1a": zeros,
        "W1b": W1b, "b1b": b1b, "g1b": ones, "be1b": zeros,
        "W2a": W2a, "b2a": b2a, "g2a": ones, "be2a": zeros,
        "W2b": W2b, "b2b": b2b, "g2b": ones, "be2b": zeros,
    }


def reference(x, edge_index, edge_attr, u, batch,
              W1a, b1a, g1a, be1a, W1b, b1b, g1b, be1b,
              W2a, b2a, g2a, be2a, W2b, b2b, g2b, be2b):
    row = edge_index[0]
    col = edge_index[1]
    out = jnp.concatenate([x[row], edge_attr], axis=1)
    # node_mlp_1: Lin -> BN -> ReLU -> Lin -> BN
    h = out @ W1a + b1a
    h = _bn(h, g1a, be1a)
    h = jax.nn.relu(h)
    h = h @ W1b + b1b
    h = _bn(h, g1b, be1b)
    # scatter_mean over destination nodes (col), dim_size = N
    n = x.shape[0]
    summed = jnp.zeros((n, h.shape[1]), h.dtype).at[col].add(h)
    count = jnp.zeros((n,), h.dtype).at[col].add(1.0)
    agg = summed / jnp.clip(count, 1.0, None)[:, None]
    out2 = jnp.concatenate([x, agg], axis=1)
    # node_mlp_2
    h2 = out2 @ W2a + b2a
    h2 = _bn(h2, g2a, be2a)
    h2 = jax.nn.relu(h2)
    h2 = h2 @ W2b + b2b
    h2 = _bn(h2, g2b, be2b)
    return h2

if __name__ == "__main__":
    import jax
    _d = setup_inputs()
    print(jax.jit(kernel)(*tuple(_d.values())))

</pallas_src>

<mosaic_0001>
#map = affine_map<(d0, d1) -> (0, 0)>
module attributes {stable_mosaic.version = 14 : i64} {
  func.func @gather_kernel(%arg0: i32, %arg1: i32, %arg2: memref<10240x128xf32, #tpu.memory_space<hbm>>, %arg3: memref<2560x128xi32, #tpu.memory_space<hbm>>, %arg4: memref<327680x128xf32, #tpu.memory_space<hbm>>, %arg5: memref<10240x128xf32, #tpu.memory_space<vmem_shared>>, %arg6: memref<80x128xi32, #tpu.memory_space<vmem>>, %arg7: memref<128x128xf32, #tpu.memory_space<vmem>>, %arg8: memref<128x128xf32, #tpu.memory_space<vmem>>, %arg9: memref<!tpu.dma_semaphore, #tpu.memory_space<semaphore_mem>>, %arg10: memref<!tpu.dma_semaphore, #tpu.memory_space<semaphore_mem>>, %arg11: memref<!tpu.dma_semaphore, #tpu.memory_space<semaphore_mem>>, %arg12: memref<!tpu.dma_semaphore, #tpu.memory_space<semaphore_mem>>) attributes {dimension_semantics = [#tpu.dimension_semantics<core_parallel>, #tpu.dimension_semantics<subcore_parallel>], iteration_bounds = array<i64: 2, 16>, scalar_prefetch = 0 : i64, scratch_operands = 8 : i64, tpu.core_type = #tpu.core_type<sc_vector_subcore>, window_params = [{transform_indices = #map}, {transform_indices = #map}, {transform_indices = #map}]} {
    %mul3A = arith.constant 640 : i32
    %mul3A_0 = arith.muli %arg1, %mul3A : i32
    %multiple_of3A = tpu.assume_multiple %mul3A_0, 8 : i32
    "tpu.region"() ({
      %run_scoped3A = tpu.sem_alloc : memref<!tpu.dma_semaphore, #tpu.memory_space<semaphore_mem>>
      %dma_start3A_24 = arith.constant 0 : i32
      %dma_start3A_25 = tpu.memref_slice %arg5[%multiple_of3A, %dma_start3A_24] : memref<10240x128xf32, #tpu.memory_space<vmem_shared>> -> memref<640x128xf32, #tpu.memory_space<vmem_shared>>
      %dma_start3A_26 = arith.constant 0 : i32
      %dma_start3A_27 = tpu.memref_slice %arg2[%multiple_of3A, %dma_start3A_26] : memref<10240x128xf32, #tpu.memory_space<hbm>> -> memref<640x128xf32, #tpu.memory_space<hbm>>
      tpu.enqueue_dma source(%dma_start3A_27 : memref<640x128xf32, #tpu.memory_space<hbm>>) target(%dma_start3A_25 : memref<640x128xf32, #tpu.memory_space<vmem_shared>>) target_semaphore(%run_scoped3A : memref<!tpu.dma_semaphore, #tpu.memory_space<semaphore_mem>>)
      %dma_wait3A = arith.constant 0 : i32
      %dma_wait3A_28 = tpu.memref_slice %arg5[%multiple_of3A, %dma_wait3A] : memref<10240x128xf32, #tpu.memory_space<vmem_shared>> -> memref<640x128xf32, #tpu.memory_space<vmem_shared>>
      %dma_wait3A_29 = arith.constant 0 : i32
      %dma_wait3A_30 = tpu.memref_slice %arg2[%multiple_of3A, %dma_wait3A_29] : memref<10240x128xf32, #tpu.memory_space<hbm>> -> memref<640x128xf32, #tpu.memory_space<hbm>>
      tpu.wait_dma2 semaphore(%run_scoped3A : memref<!tpu.dma_semaphore, #tpu.memory_space<semaphore_mem>>) src(%dma_wait3A_30 : memref<640x128xf32, #tpu.memory_space<hbm>>) dst(%dma_wait3A_28 : memref<640x128xf32, #tpu.memory_space<vmem_shared>>)
      tpu.yield
    }) : () -> ()
    %mul3A_1 = arith.constant 2 : i32
    %mul3A_2 = arith.muli %arg1, %mul3A_1 : i32
    %add3A = arith.addi %mul3A_2, %arg0 : i32
    %mul3A_3 = arith.constant 80 : i32
    %mul3A_4 = arith.muli %add3A, %mul3A_3 : i32
    %multiple_of3A_5 = tpu.assume_multiple %mul3A_4, 8 : i32
    "tpu.region"() ({
      %run_scoped3A = tpu.sem_alloc : memref<!tpu.dma_semaphore, #tpu.memory_space<semaphore_mem>>
      %dma_start3A_24 = arith.constant 0 : i32
      %dma_start3A_25 = tpu.memref_slice %arg3[%multiple_of3A_5, %dma_start3A_24] : memref<2560x128xi32, #tpu.memory_space<hbm>> -> memref<80x128xi32, #tpu.memory_space<hbm>>
      %dma_start3A_26 = arith.constant 0 : i32
      %dma_start3A_27 = tpu.memref_slice %arg3[%multiple_of3A_5, %dma_start3A_26] : memref<2560x128xi32, #tpu.memory_space<hbm>> -> memref<80x128xi32, #tpu.memory_space<hbm>>
      tpu.enqueue_dma source(%dma_start3A_27 : memref<80x128xi32, #tpu.memory_space<hbm>>) target(%arg6 : memref<80x128xi32, #tpu.memory_space<vmem>>) target_semaphore(%run_scoped3A : memref<!tpu.dma_semaphore, #tpu.memory_space<semaphore_mem>>)
      %dma_wait3A = arith.constant 0 : i32
      %dma_wait3A_28 = tpu.memref_slice %arg3[%multiple_of3A_5, %dma_wait3A] : memref<2560x128xi32, #tpu.memory_space<hbm>> -> memref<80x128xi32, #tpu.memory_space<hbm>>
      %dma_wait3A_29 = arith.constant 0 : i32
      %dma_wait3A_30 = tpu.memref_slice %arg3[%multiple_of3A_5, %dma_wait3A_29] : memref<2560x128xi32, #tpu.memory_space<hbm>> -> memref<80x128xi32, #tpu.memory_space<hbm>>
      tpu.wait_dma2 semaphore(%run_scoped3A : memref<!tpu.dma_semaphore, #tpu.memory_space<semaphore_mem>>) src(%dma_wait3A_30 : memref<80x128xi32, #tpu.memory_space<hbm>>) dst(%arg6 : memref<80x128xi32, #tpu.memory_space<vmem>>)
      tpu.yield
    }) : () -> ()
    %barrier3A = arith.constant 0 : index
    tpu.barrier barrier_id(%barrier3A)
    %dma_start3A = arith.constant 0 : i32
    %dma_start3A_6 = arith.constant 0 : i32
    %dma_start3A_7 = tpu.memref_slice %arg6[%dma_start3A, %dma_start3A_6] : memref<80x128xi32, #tpu.memory_space<vmem>> -> memref<1x128xi32, #tpu.memory_space<vmem>>
    %dma_start3A_8 = tpu.memref_squeeze %dma_start3A_7 : memref<1x128xi32, #tpu.memory_space<vmem>> -> memref<128xi32, #tpu.memory_space<vmem>>
    %dma_start3A_9 = arith.constant 0 : i32
    %dma_start3A_10 = arith.constant 0 : i32
    %dma_start3A_11 = tpu.memref_slice %arg5[%dma_start3A_9, %dma_start3A_10] : memref<10240x128xf32, #tpu.memory_space<vmem_shared>> -> memref<10240x128xf32, #tpu.memory_space<vmem_shared>>
    tpu.enqueue_indirect_dma source(%dma_start3A_11 : memref<10240x128xf32, #tpu.memory_space<vmem_shared>>) target(%arg7 : memref<128x128xf32, #tpu.memory_space<vmem>>) offsets(%dma_start3A_8 : memref<128xi32, #tpu.memory_space<vmem>>) semaphore(%arg9 : memref<!tpu.dma_semaphore, #tpu.memory_space<semaphore_mem>>)
    %dma_start3A_12 = arith.constant 1 : i32
    %dma_start3A_13 = arith.constant 0 : i32
    %dma_start3A_14 = tpu.memref_slice %arg6[%dma_start3A_12, %dma_start3A_13] : memref<80x128xi32, #tpu.memory_space<vmem>> -> memref<1x128xi32, #tpu.memory_space<vmem>>
    %dma_start3A_15 = tpu.memref_squeeze %dma_start3A_14 : memref<1x128xi32, #tpu.memory_space<vmem>> -> memref<128xi32, #tpu.memory_space<vmem>>
    %dma_start3A_16 = arith.constant 0 : i32
    %dma_start3A_17 = arith.constant 0 : i32
    %dma_start3A_18 = tpu.memref_slice %arg5[%dma_start3A_16, %dma_start3A_17] : memref<10240x128xf32, #tpu.memory_space<vmem_shared>> -> memref<10240x128xf32, #tpu.memory_space<vmem_shared>>
    tpu.enqueue_indirect_dma source(%dma_start3A_18 : memref<10240x128xf32, #tpu.memory_space<vmem_shared>>) target(%arg8 : memref<128x128xf32, #tpu.memory_space<vmem>>) offsets(%dma_start3A_15 : memref<128xi32, #tpu.memory_space<vmem>>) semaphore(%arg10 : memref<!tpu.dma_semaphore, #tpu.memory_space<semaphore_mem>>)
    %scan3A = arith.constant 0 : i32
    %scan3A_19 = arith.constant 0 : i32
    %scan3A_20 = arith.constant 40 : i32
    %scan3A_21 = arith.addi %scan3A_19, %scan3A_20 : i32
    %scan3A_22 = arith.constant 1 : i32
    scf.for %scan3A_24 = %scan3A_19 to %scan3A_21 step %scan3A_22  : i32 {
      %mul3A_25 = arith.constant 2 : i32
      %mul3A_26 = arith.muli %scan3A_24, %mul3A_25 : i32
      %add3A_27 = arith.constant 0 : i32
      %add3A_28 = arith.addi %mul3A_26, %add3A_27 : i32
      %add3A_29 = arith.addi %multiple_of3A_5, %add3A_28 : i32
      %mul3A_30 = arith.constant 128 : i32
      %mul3A_31 = arith.muli %add3A_29, %mul3A_30 : i32
      %multiple_of3A_32 = tpu.assume_multiple %mul3A_31, 8 : i32
      %dma_wait3A = arith.constant 0 : i32
      %dma_wait3A_33 = tpu.memref_slice %arg6[%add3A_28, %dma_wait3A] : memref<80x128xi32, #tpu.memory_space<vmem>> -> memref<1x128xi32, #tpu.memory_space<vmem>>
      %dma_wait3A_34 = tpu.memref_squeeze %dma_wait3A_33 : memref<1x128xi32, #tpu.memory_space<vmem>> -> memref<128xi32, #tpu.memory_space<vmem>>
      %dma_wait3A_35 = arith.constant 0 : i32
      %dma_wait3A_36 = arith.constant 0 : i32
      %dma_wait3A_37 = tpu.memref_slice %arg5[%dma_wait3A_35, %dma_wait3A_36] : memref<10240x128xf32, #tpu.memory_space<vmem_shared>> -> memref<10240x128xf32, #tpu.memory_space<vmem_shared>>
      tpu.wait_indirect_dma semaphore(%arg9 : memref<!tpu.dma_semaphore, #tpu.memory_space<semaphore_mem>>) src(%dma_wait3A_37 : memref<10240x128xf32, #tpu.memory_space<vmem_shared>>) dst(%arg7 : memref<128x128xf32, #tpu.memory_space<vmem>>)
      %dma_start3A_38 = arith.constant 0 : i32
      %dma_start3A_39 = tpu.memref_slice %arg4[%multiple_of3A_32, %dma_start3A_38] : memref<327680x128xf32, #tpu.memory_space<hbm>> -> memref<128x128xf32, #tpu.memory_space<hbm>>
      %dma_start3A_40 = arith.constant 0 : i32
      %dma_start3A_41 = tpu.memref_slice %arg4[%multiple_of3A_32, %dma_start3A_40] : memref<327680x128xf32, #tpu.memory_space<hbm>> -> memref<128x128xf32, #tpu.memory_space<hbm>>
      tpu.enqueue_dma source(%arg7 : memref<128x128xf32, #tpu.memory_space<vmem>>) target(%dma_start3A_41 : memref<128x128xf32, #tpu.memory_space<hbm>>) target_semaphore(%arg11 : memref<!tpu.dma_semaphore, #tpu.memory_space<semaphore_mem>>)
      %mul3A_42 = arith.constant 2 : i32
      %mul3A_43 = arith.muli %scan3A_24, %mul3A_42 : i32
      %add3A_44 = arith.constant 1 : i32
      %add3A_45 = arith.addi %mul3A_43, %add3A_44 : i32
      %add3A_46 = arith.addi %multiple_of3A_5, %add3A_45 : i32
      %mul3A_47 = arith.constant 128 : i32
      %mul3A_48 = arith.muli %add3A_46, %mul3A_47 : i32
      %multiple_of3A_49 = tpu.assume_multiple %mul3A_48, 8 : i32
      %dma_wait3A_50 = arith.constant 0 : i32
      %dma_wait3A_51 = tpu.memref_slice %arg6[%add3A_45, %dma_wait3A_50] : memref<80x128xi32, #tpu.memory_space<vmem>> -> memref<1x128xi32, #tpu.memory_space<vmem>>
      %dma_wait3A_52 = tpu.memref_squeeze %dma_wait3A_51 : memref<1x128xi32, #tpu.memory_space<vmem>> -> memref<128xi32, #tpu.memory_space<vmem>>
      %dma_wait3A_53 = arith.constant 0 : i32
      %dma_wait3A_54 = arith.constant 0 : i32
      %dma_wait3A_55 = tpu.memref_slice %arg5[%dma_wait3A_53, %dma_wait3A_54] : memref<10240x128xf32, #tpu.memory_space<vmem_shared>> -> memref<10240x128xf32, #tpu.memory_space<vmem_shared>>
      tpu.wait_indirect_dma semaphore(%arg10 : memref<!tpu.dma_semaphore, #tpu.memory_space<semaphore_mem>>) src(%dma_wait3A_55 : memref<10240x128xf32, #tpu.memory_space<vmem_shared>>) dst(%arg8 : memref<128x128xf32, #tpu.memory_space<vmem>>)
      %dma_start3A_56 = arith.constant 0 : i32
      %dma_start3A_57 = tpu.memref_slice %arg4[%multiple_of3A_49, %dma_start3A_56] : memref<327680x128xf32, #tpu.memory_space<hbm>> -> memref<128x128xf32, #tpu.memory_space<hbm>>
      %dma_start3A_58 = arith.constant 0 : i32
      %dma_start3A_59 = tpu.memref_slice %arg4[%multiple_of3A_49, %dma_start3A_58] : memref<327680x128xf32, #tpu.memory_space<hbm>> -> memref<128x128xf32, #tpu.memory_space<hbm>>
      tpu.enqueue_dma source(%arg8 : memref<128x128xf32, #tpu.memory_space<vmem>>) target(%dma_start3A_59 : memref<128x128xf32, #tpu.memory_space<hbm>>) target_semaphore(%arg12 : memref<!tpu.dma_semaphore, #tpu.memory_space<semaphore_mem>>)
      %mul3A_60 = arith.constant 2 : i32
      %mul3A_61 = arith.muli %scan3A_24, %mul3A_60 : i32
      %add3A_62 = arith.constant 0 : i32
      %add3A_63 = arith.addi %mul3A_61, %add3A_62 : i32
      %add3A_64 = arith.addi %multiple_of3A_5, %add3A_63 : i32
      %mul3A_65 = arith.constant 128 : i32
      %mul3A_66 = arith.muli %add3A_64, %mul3A_65 : i32
      %multiple_of3A_67 = tpu.assume_multiple %mul3A_66, 8 : i32
      %dma_wait3A_68 = arith.constant 0 : i32
      %dma_wait3A_69 = tpu.memref_slice %arg4[%multiple_of3A_67, %dma_wait3A_68] : memref<327680x128xf32, #tpu.memory_space<hbm>> -> memref<128x128xf32, #tpu.memory_space<hbm>>
      %dma_wait3A_70 = arith.constant 0 : i32
      %dma_wait3A_71 = tpu.memref_slice %arg4[%multiple_of3A_67, %dma_wait3A_70] : memref<327680x128xf32, #tpu.memory_space<hbm>> -> memref<128x128xf32, #tpu.memory_space<hbm>>
      tpu.wait_dma2 semaphore(%arg11 : memref<!tpu.dma_semaphore, #tpu.memory_space<semaphore_mem>>) src(%arg7 : memref<128x128xf32, #tpu.memory_space<vmem>>) dst(%dma_wait3A_71 : memref<128x128xf32, #tpu.memory_space<hbm>>)
      %add3A_72 = arith.constant 2 : i32
      %add3A_73 = arith.addi %add3A_63, %add3A_72 : i32
      %lt3A = arith.constant 80 : i32
      %lt3A_74 = arith.cmpi slt, %add3A_73, %lt3A : i32
      %convert_element_type3A = arith.extui %lt3A_74 : i1 to i32
      %cond3A = arith.constant 0 : i32
      %cond3A_75 = arith.cmpi ne, %convert_element_type3A, %cond3A : i32
      scf.if %cond3A_75 {
        %add3A_95 = arith.constant 2 : i32
        %add3A_96 = arith.addi %add3A_63, %add3A_95 : i32
        %dma_start3A_97 = arith.constant 0 : i32
        %dma_start3A_98 = tpu.memref_slice %arg6[%add3A_96, %dma_start3A_97] : memref<80x128xi32, #tpu.memory_space<vmem>> -> memref<1x128xi32, #tpu.memory_space<vmem>>
        %dma_start3A_99 = tpu.memref_squeeze %dma_start3A_98 : memref<1x128xi32, #tpu.memory_space<vmem>> -> memref<128xi32, #tpu.memory_space<vmem>>
        %dma_start3A_100 = arith.constant 0 : i32
        %dma_start3A_101 = arith.constant 0 : i32
        %dma_start3A_102 = tpu.memref_slice %arg5[%dma_start3A_100, %dma_start3A_101] : memref<10240x128xf32, #tpu.memory_space<vmem_shared>> -> memref<10240x128xf32, #tpu.memory_space<vmem_shared>>
        tpu.enqueue_indirect_dma source(%dma_start3A_102 : memref<10240x128xf32, #tpu.memory_space<vmem_shared>>) target(%arg7 : memref<128x128xf32, #tpu.memory_space<vmem>>) offsets(%dma_start3A_99 : memref<128xi32, #tpu.memory_space<vmem>>) semaphore(%arg9 : memref<!tpu.dma_semaphore, #tpu.memory_space<semaphore_mem>>)
      } else {
      }
      %mul3A_76 = arith.constant 2 : i32
      %mul3A_77 = arith.muli %scan3A_24, %mul3A_76 : i32
      %add3A_78 = arith.constant 1 : i32
      %add3A_79 = arith.addi %mul3A_77, %add3A_78 : i32
      %add3A_80 = arith.addi %multiple_of3A_5, %add3A_79 : i32
      %mul3A_81 = arith.constant 128 : i32
      %mul3A_82 = arith.muli %add3A_80, %mul3A_81 : i32
      %multiple_of3A_83 = tpu.assume_multiple %mul3A_82, 8 : i32
      %dma_wait3A_84 = arith.constant 0 : i32
      %dma_wait3A_85 = tpu.memref_slice %arg4[%multiple_of3A_83, %dma_wait3A_84] : memref<327680x128xf32, #tpu.memory_space<hbm>> -> memref<128x128xf32, #tpu.memory_space<hbm>>
      %dma_wait3A_86 = arith.constant 0 : i32
      %dma_wait3A_87 = tpu.memref_slice %arg4[%multiple_of3A_83, %dma_wait3A_86] : memref<327680x128xf32, #tpu.memory_space<hbm>> -> memref<128x128xf32, #tpu.memory_space<hbm>>
      tpu.wait_dma2 semaphore(%arg12 : memref<!tpu.dma_semaphore, #tpu.memory_space<semaphore_mem>>) src(%arg8 : memref<128x128xf32, #tpu.memory_space<vmem>>) dst(%dma_wait3A_87 : memref<128x128xf32, #tpu.memory_space<hbm>>)
      %add3A_88 = arith.constant 2 : i32
      %add3A_89 = arith.addi %add3A_79, %add3A_88 : i32
      %lt3A_90 = arith.constant 80 : i32
      %lt3A_91 = arith.cmpi slt, %add3A_89, %lt3A_90 : i32
      %convert_element_type3A_92 = arith.extui %lt3A_91 : i1 to i32
      %cond3A_93 = arith.constant 0 : i32
      %cond3A_94 = arith.cmpi ne, %convert_element_type3A_92, %cond3A_93 : i32
      scf.if %cond3A_94 {
        %add3A_95 = arith.constant 2 : i32
        %add3A_96 = arith.addi %add3A_79, %add3A_95 : i32
        %dma_start3A_97 = arith.constant 0 : i32
        %dma_start3A_98 = tpu.memref_slice %arg6[%add3A_96, %dma_start3A_97] : memref<80x128xi32, #tpu.memory_space<vmem>> -> memref<1x128xi32, #tpu.memory_space<vmem>>
        %dma_start3A_99 = tpu.memref_squeeze %dma_start3A_98 : memref<1x128xi32, #tpu.memory_space<vmem>> -> memref<128xi32, #tpu.memory_space<vmem>>
        %dma_start3A_100 = arith.constant 0 : i32
        %dma_start3A_101 = arith.constant 0 : i32
        %dma_start3A_102 = tpu.memref_slice %arg5[%dma_start3A_100, %dma_start3A_101] : memref<10240x128xf32, #tpu.memory_space<vmem_shared>> -> memref<10240x128xf32, #tpu.memory_space<vmem_shared>>
        tpu.enqueue_indirect_dma source(%dma_start3A_102 : memref<10240x128xf32, #tpu.memory_space<vmem_shared>>) target(%arg8 : memref<128x128xf32, #tpu.memory_space<vmem>>) offsets(%dma_start3A_99 : memref<128xi32, #tpu.memory_space<vmem>>) semaphore(%arg10 : memref<!tpu.dma_semaphore, #tpu.memory_space<semaphore_mem>>)
      } else {
      }
    }
    %scan3A_23 = arith.constant 40 : i32
    return
  }
}

#map = affine_map<(d0, d1) -> (0, 0)>
#map1 = affine_map<(d0, d1) -> (0)>
module attributes {stable_mosaic.version = 14 : i64} {
  func.func @scatter_kernel(%arg0: i32, %arg1: i32, %arg2: memref<327680x128xf32, #tpu.memory_space<hbm>>, %arg3: memref<327680x128xf32, #tpu.memory_space<hbm>>, %arg4: memref<327680xi32, #tpu.memory_space<hbm>>, %arg5: memref<2560x128xi32, #tpu.memory_space<hbm>>, %arg6: memref<10240x128xf32, #tpu.memory_space<hbm>>, %arg7: memref<128x128xf32, #tpu.memory_space<hbm>>, %arg8: memref<10240x128xf32, #tpu.memory_space<hbm>>, %arg9: memref<10240x128xf32, #tpu.memory_space<hbm>>, %arg10: memref<10240x128xf32, #tpu.memory_space<hbm>>, %arg11: memref<10240x128xf32, #tpu.memory_space<hbm>>, %arg12: memref<10240x128xf32, #tpu.memory_space<vmem_shared>>, %arg13: memref<128xi32, #tpu.memory_space<vmem>>, %arg14: memref<128xi32, #tpu.memory_space<vmem>>, %arg15: memref<80x128xi32, #tpu.memory_space<vmem>>, %arg16: memref<128x128xf32, #tpu.memory_space<vmem>>, %arg17: memref<128x128xf32, #tpu.memory_space<vmem>>, %arg18: memref<!tpu.dma_semaphore, #tpu.memory_space<semaphore_mem>>, %arg19: memref<!tpu.dma_semaphore, #tpu.memory_space<semaphore_mem>>, %arg20: memref<!tpu.dma_semaphore, #tpu.memory_space<semaphore_mem>>, %arg21: memref<!tpu.dma_semaphore, #tpu.memory_space<semaphore_mem>>, %arg22: memref<!tpu.dma_semaphore, #tpu.memory_space<semaphore_mem>>, %arg23: memref<!tpu.dma_semaphore, #tpu.memory_space<semaphore_mem>>) attributes {dimension_semantics = [#tpu.dimension_semantics<core_parallel>, #tpu.dimension_semantics<subcore_parallel>], iteration_bounds = array<i64: 2, 16>, scalar_prefetch = 0 : i64, scratch_operands = 12 : i64, tpu.core_type = #tpu.core_type<sc_vector_subcore>, window_params = [{transform_indices = #map}, {transform_indices = #map}, {transform_indices = #map1}, {transform_indices = #map}, {transform_indices = #map}, {transform_indices = #map}, {transform_indices = #map}, {transform_indices = #map}, {transform_indices = #map}, {transform_indices = #map}]} {
    %mul3A = arith.constant 640 : i32
    %mul3A_0 = arith.muli %arg1, %mul3A : i32
    %multiple_of3A = tpu.assume_multiple %mul3A_0, 8 : i32
    "tpu.region"() ({
      %run_scoped3A = tpu.sem_alloc : memref<!tpu.dma_semaphore, #tpu.memory_space<semaphore_mem>>
      %dma_start3A = arith.constant 0 : i32
      %dma_start3A_43 = tpu.memref_slice %arg12[%multiple_of3A, %dma_start3A] : memref<10240x128xf32, #tpu.memory_space<vmem_shared>> -> memref<640x128xf32, #tpu.memory_space<vmem_shared>>
      %dma_start3A_44 = arith.constant 0 : i32
      %dma_start3A_45 = tpu.memref_slice %arg6[%multiple_of3A, %dma_start3A_44] : memref<10240x128xf32, #tpu.memory_space<hbm>> -> memref<640x128xf32, #tpu.memory_space<hbm>>
      tpu.enqueue_dma source(%dma_start3A_45 : memref<640x128xf32, #tpu.memory_space<hbm>>) target(%dma_start3A_43 : memref<640x128xf32, #tpu.memory_space<vmem_shared>>) target_semaphore(%run_scoped3A : memref<!tpu.dma_semaphore, #tpu.memory_space<semaphore_mem>>)
      %dma_wait3A = arith.constant 0 : i32
      %dma_wait3A_46 = tpu.memref_slice %arg12[%multiple_of3A, %dma_wait3A] : memref<10240x128xf32, #tpu.memory_space<vmem_shared>> -> memref<640x128xf32, #tpu.memory_space<vmem_shared>>
      %dma_wait3A_47 = arith.constant 0 : i32
      %dma_wait3A_48 = tpu.memref_slice %arg6[%multiple_of3A, %dma_wait3A_47] : memref<10240x128xf32, #tpu.memory_space<hbm>> -> memref<640x128xf32, #tpu.memory_space<hbm>>
      tpu.wait_dma2 semaphore(%run_scoped3A : memref<!tpu.dma_semaphore, #tpu.memory_space<semaphore_mem>>) src(%dma_wait3A_48 : memref<640x128xf32, #tpu.memory_space<hbm>>) dst(%dma_wait3A_46 : memref<640x128xf32, #tpu.memory_space<vmem_shared>>)
      tpu.yield
    }) : () -> ()
    %mul3A_1 = arith.constant 160 : i32
    %mul3A_2 = arith.muli %arg1, %mul3A_1 : i32
    %barrier3A = arith.constant 0 : index
    tpu.barrier barrier_id(%barrier3A)
    %eq3A = arith.constant 0 : i32
    %eq3A_3 = arith.cmpi eq, %arg0, %eq3A : i32
    %convert_element_type3A = arith.extui %eq3A_3 : i1 to i32
    %cond3A = arith.constant 0 : i32
    %cond3A_4 = arith.cmpi ne, %convert_element_type3A, %cond3A : i32
    scf.if %cond3A_4 {
      %add3A_43 = arith.constant 0 : i32
      %add3A_44 = arith.addi %mul3A_2, %add3A_43 : i32
      %mul3A_45 = arith.constant 128 : i32
      %mul3A_46 = arith.muli %add3A_44, %mul3A_45 : i32
      %multiple_of3A_47 = tpu.assume_multiple %mul3A_46, 8 : i32
      %dma_start3A = tpu.memref_slice %arg4[%multiple_of3A_47] : memref<327680xi32, #tpu.memory_space<hbm>> -> memref<128xi32, #tpu.memory_space<hbm>>
      %dma_start3A_48 = tpu.memref_slice %arg4[%multiple_of3A_47] : memref<327680xi32, #tpu.memory_space<hbm>> -> memref<128xi32, #tpu.memory_space<hbm>>
      tpu.enqueue_dma source(%dma_start3A_48 : memref<128xi32, #tpu.memory_space<hbm>>) target(%arg13 : memref<128xi32, #tpu.memory_space<vmem>>) target_semaphore(%arg18 : memref<!tpu.dma_semaphore, #tpu.memory_space<semaphore_mem>>)
      %add3A_49 = arith.constant 0 : i32
      %add3A_50 = arith.addi %mul3A_2, %add3A_49 : i32
      %mul3A_51 = arith.constant 128 : i32
      %mul3A_52 = arith.muli %add3A_50, %mul3A_51 : i32
      %multiple_of3A_53 = tpu.assume_multiple %mul3A_52, 8 : i32
      %dma_start3A_54 = arith.constant 0 : i32
      %dma_start3A_55 = tpu.memref_slice %arg2[%multiple_of3A_53, %dma_start3A_54] : memref<327680x128xf32, #tpu.memory_space<hbm>> -> memref<128x128xf32, #tpu.memory_space<hbm>>
      %dma_start3A_56 = arith.constant 0 : i32
      %dma_start3A_57 = tpu.memref_slice %arg2[%multiple_of3A_53, %dma_start3A_56] : memref<327680x128xf32, #tpu.memory_space<hbm>> -> memref<128x128xf32, #tpu.memory_space<hbm>>
      tpu.enqueue_dma source(%dma_start3A_57 : memref<128x128xf32, #tpu.memory_space<hbm>>) target(%arg16 : memref<128x128xf32, #tpu.memory_space<vmem>>) target_semaphore(%arg20 : memref<!tpu.dma_semaphore, #tpu.memory_space<semaphore_mem>>)
      %add3A_58 = arith.constant 1 : i32
      %add3A_59 = arith.addi %mul3A_2, %add3A_58 : i32
      %mul3A_60 = arith.constant 128 : i32
      %mul3A_61 = arith.muli %add3A_59, %mul3A_60 : i32
      %multiple_of3A_62 = tpu.assume_multiple %mul3A_61, 8 : i32
      %dma_start3A_63 = tpu.memref_slice %arg4[%multiple_of3A_62] : memref<327680xi32, #tpu.memory_space<hbm>> -> memref<128xi32, #tpu.memory_space<hbm>>
      %dma_start3A_64 = tpu.memref_slice %arg4[%multiple_of3A_62] : memref<327680xi32, #tpu.memory_space<hbm>> -> memref<128xi32, #tpu.memory_space<hbm>>
      tpu.enqueue_dma source(%dma_start3A_64 : memref<128xi32, #tpu.memory_space<hbm>>) target(%arg14 : memref<128xi32, #tpu.memory_space<vmem>>) target_semaphore(%arg19 : memref<!tpu.dma_semaphore, #tpu.memory_space<semaphore_mem>>)
      %add3A_65 = arith.constant 1 : i32
      %add3A_66 = arith.addi %mul3A_2, %add3A_65 : i32
      %mul3A_67 = arith.constant 128 : i32
      %mul3A_68 = arith.muli %add3A_66, %mul3A_67 : i32
      %multiple_of3A_69 = tpu.assume_multiple %mul3A_68, 8 : i32
      %dma_start3A_70 = arith.constant 0 : i32
      %dma_start3A_71 = tpu.memref_slice %arg2[%multiple_of3A_69, %dma_start3A_70] : memref<327680x128xf32, #tpu.memory_space<hbm>> -> memref<128x128xf32, #tpu.memory_space<hbm>>
      %dma_start3A_72 = arith.constant 0 : i32
      %dma_start3A_73 = tpu.memref_slice %arg2[%multiple_of3A_69, %dma_start3A_72] : memref<327680x128xf32, #tpu.memory_space<hbm>> -> memref<128x128xf32, #tpu.memory_space<hbm>>
      tpu.enqueue_dma source(%dma_start3A_73 : memref<128x128xf32, #tpu.memory_space<hbm>>) target(%arg17 : memref<128x128xf32, #tpu.memory_space<vmem>>) target_semaphore(%arg21 : memref<!tpu.dma_semaphore, #tpu.memory_space<semaphore_mem>>)
      %scan3A_74 = arith.constant 0 : i32
      %scan3A_75 = arith.constant 0 : i32
      %scan3A_76 = arith.constant 80 : i32
      %scan3A_77 = arith.addi %scan3A_75, %scan3A_76 : i32
      %scan3A_78 = arith.constant 1 : i32
      scf.for %scan3A_80 = %scan3A_75 to %scan3A_77 step %scan3A_78  : i32 {
        %mul3A_81 = arith.constant 2 : i32
        %mul3A_82 = arith.muli %scan3A_80, %mul3A_81 : i32
        %add3A_83 = arith.constant 0 : i32
        %add3A_84 = arith.addi %mul3A_82, %add3A_83 : i32
        %add3A_85 = arith.addi %mul3A_2, %add3A_84 : i32
        %mul3A_86 = arith.constant 128 : i32
        %mul3A_87 = arith.muli %add3A_85, %mul3A_86 : i32
        %multiple_of3A_88 = tpu.assume_multiple %mul3A_87, 8 : i32
        %dma_wait3A = tpu.memref_slice %arg4[%multiple_of3A_88] : memref<327680xi32, #tpu.memory_space<hbm>> -> memref<128xi32, #tpu.memory_space<hbm>>
        %dma_wait3A_89 = tpu.memref_slice %arg4[%multiple_of3A_88] : memref<327680xi32, #tpu.memory_space<hbm>> -> memref<128xi32, #tpu.memory_space<hbm>>
        tpu.wait_dma2 semaphore(%arg18 : memref<!tpu.dma_semaphore, #tpu.memory_space<semaphore_mem>>) src(%dma_wait3A_89 : memref<128xi32, #tpu.memory_space<hbm>>) dst(%arg13 : memref<128xi32, #tpu.memory_space<vmem>>)
        %add3A_90 = arith.addi %mul3A_2, %add3A_84 : i32
        %mul3A_91 = arith.constant 128 : i32
        %mul3A_92 = arith.muli %add3A_90, %mul3A_91 : i32
        %multiple_of3A_93 = tpu.assume_multiple %mul3A_92, 8 : i32
        %dma_wait3A_94 = arith.constant 0 : i32
        %dma_wait3A_95 = tpu.memref_slice %arg2[%multiple_of3A_93, %dma_wait3A_94] : memref<327680x128xf32, #tpu.memory_space<hbm>> -> memref<128x128xf32, #tpu.memory_space<hbm>>
        %dma_wait3A_96 = arith.constant 0 : i32
        %dma_wait3A_97 = tpu.memref_slice %arg2[%multiple_of3A_93, %dma_wait3A_96] : memref<327680x128xf32, #tpu.memory_space<hbm>> -> memref<128x128xf32, #tpu.memory_space<hbm>>
        tpu.wait_dma2 semaphore(%arg20 : memref<!tpu.dma_semaphore, #tpu.memory_space<semaphore_mem>>) src(%dma_wait3A_97 : memref<128x128xf32, #tpu.memory_space<hbm>>) dst(%arg16 : memref<128x128xf32, #tpu.memory_space<vmem>>)
        %dma_start3A_98 = arith.constant 0 : i32
        %dma_start3A_99 = arith.constant 0 : i32
        %dma_start3A_100 = tpu.memref_slice %arg12[%dma_start3A_98, %dma_start3A_99] : memref<10240x128xf32, #tpu.memory_space<vmem_shared>> -> memref<10240x128xf32, #tpu.memory_space<vmem_shared>>
        tpu.enqueue_indirect_dma source(%arg16 : memref<128x128xf32, #tpu.memory_space<vmem>>) target(%dma_start3A_100 : memref<10240x128xf32, #tpu.memory_space<vmem_shared>>) offsets(%arg13 : memref<128xi32, #tpu.memory_space<vmem>>) semaphore(%arg22 : memref<!tpu.dma_semaphore, #tpu.memory_space<semaphore_mem>>) {add = true}
        %mul3A_101 = arith.constant 2 : i32
        %mul3A_102 = arith.muli %scan3A_80, %mul3A_101 : i32
        %add3A_103 = arith.constant 1 : i32
        %add3A_104 = arith.addi %mul3A_102, %add3A_103 : i32
        %add3A_105 = arith.addi %mul3A_2, %add3A_104 : i32
        %mul3A_106 = arith.constant 128 : i32
        %mul3A_107 = arith.muli %add3A_105, %mul3A_106 : i32
        %multiple_of3A_108 = tpu.assume_multiple %mul3A_107, 8 : i32
        %dma_wait3A_109 = tpu.memref_slice %arg4[%multiple_of3A_108] : memref<327680xi32, #tpu.memory_space<hbm>> -> memref<128xi32, #tpu.memory_space<hbm>>
        %dma_wait3A_110 = tpu.memref_slice %arg4[%multiple_of3A_108] : memref<327680xi32, #tpu.memory_space<hbm>> -> memref<128xi32, #tpu.memory_space<hbm>>
        tpu.wait_dma2 semaphore(%arg19 : memref<!tpu.dma_semaphore, #tpu.memory_space<semaphore_mem>>) src(%dma_wait3A_110 : memref<128xi32, #tpu.memory_space<hbm>>) dst(%arg14 : memref<128xi32, #tpu.memory_space<vmem>>)
        %add3A_111 = arith.addi %mul3A_2, %add3A_104 : i32
        %mul3A_112 = arith.constant 128 : i32
        %mul3A_113 = arith.muli %add3A_111, %mul3A_112 : i32
        %multiple_of3A_114 = tpu.assume_multiple %mul3A_113, 8 : i32
        %dma_wait3A_115 = arith.constant 0 : i32
        %dma_wait3A_116 = tpu.memref_slice %arg2[%multiple_of3A_114, %dma_wait3A_115] : memref<327680x128xf32, #tpu.memory_space<hbm>> -> memref<128x128xf32, #tpu.memory_space<hbm>>
        %dma_wait3A_117 = arith.constant 0 : i32
        %dma_wait3A_118 = tpu.memref_slice %arg2[%multiple_of3A_114, %dma_wait3A_117] : memref<327680x128xf32, #tpu.memory_space<hbm>> -> memref<128x128xf32, #tpu.memory_space<hbm>>
        tpu.wait_dma2 semaphore(%arg21 : memref<!tpu.dma_semaphore, #tpu.memory_space<semaphore_mem>>) src(%dma_wait3A_118 : memref<128x128xf32, #tpu.memory_space<hbm>>) dst(%arg17 : memref<128x128xf32, #tpu.memory_space<vmem>>)
        %dma_start3A_119 = arith.constant 0 : i32
        %dma_start3A_120 = arith.constant 0 : i32
        %dma_start3A_121 = tpu.memref_slice %arg12[%dma_start3A_119, %dma_start3A_120] : memref<10240x128xf32, #tpu.memory_space<vmem_shared>> -> memref<10240x128xf32, #tpu.memory_space<vmem_shared>>
        tpu.enqueue_indirect_dma source(%arg17 : memref<128x128xf32, #tpu.memory_space<vmem>>) target(%dma_start3A_121 : memref<10240x128xf32, #tpu.memory_space<vmem_shared>>) offsets(%arg14 : memref<128xi32, #tpu.memory_space<vmem>>) semaphore(%arg23 : memref<!tpu.dma_semaphore, #tpu.memory_space<semaphore_mem>>) {add = true}
        %mul3A_122 = arith.constant 2 : i32
        %mul3A_123 = arith.muli %scan3A_80, %mul3A_122 : i32
        %add3A_124 = arith.constant 0 : i32
        %add3A_125 = arith.addi %mul3A_123, %add3A_124 : i32
        %dma_wait3A_126 = arith.constant 0 : i32
        %dma_wait3A_127 = arith.constant 0 : i32
        %dma_wait3A_128 = tpu.memref_slice %arg12[%dma_wait3A_126, %dma_wait3A_127] : memref<10240x128xf32, #tpu.memory_space<vmem_shared>> -> memref<10240x128xf32, #tpu.memory_space<vmem_shared>>
        tpu.wait_indirect_dma semaphore(%arg22 : memref<!tpu.dma_semaphore, #tpu.memory_space<semaphore_mem>>) src(%arg16 : memref<128x128xf32, #tpu.memory_space<vmem>>) dst(%dma_wait3A_128 : memref<10240x128xf32, #tpu.memory_space<vmem_shared>>)
        %add3A_129 = arith.constant 2 : i32
        %add3A_130 = arith.addi %add3A_125, %add3A_129 : i32
        %lt3A = arith.constant 160 : i32
        %lt3A_131 = arith.cmpi slt, %add3A_130, %lt3A : i32
        %convert_element_type3A_132 = arith.extui %lt3A_131 : i1 to i32
        %cond3A_133 = arith.constant 0 : i32
        %cond3A_134 = arith.cmpi ne, %convert_element_type3A_132, %cond3A_133 : i32
        scf.if %cond3A_134 {
          %add3A_149 = arith.constant 2 : i32
          %add3A_150 = arith.addi %add3A_125, %add3A_149 : i32
          %add3A_151 = arith.addi %mul3A_2, %add3A_150 : i32
          %mul3A_152 = arith.constant 128 : i32
          %mul3A_153 = arith.muli %add3A_151, %mul3A_152 : i32
          %multiple_of3A_154 = tpu.assume_multiple %mul3A_153, 8 : i32
          %dma_start3A_155 = tpu.memref_slice %arg4[%multiple_of3A_154] : memref<327680xi32, #tpu.memory_space<hbm>> -> memref<128xi32, #tpu.memory_space<hbm>>
          %dma_start3A_156 = tpu.memref_slice %arg4[%multiple_of3A_154] : memref<327680xi32, #tpu.memory_space<hbm>> -> memref<128xi32, #tpu.memory_space<hbm>>
          tpu.enqueue_dma source(%dma_start3A_156 : memref<128xi32, #tpu.memory_space<hbm>>) target(%arg13 : memref<128xi32, #tpu.memory_space<vmem>>) target_semaphore(%arg18 : memref<!tpu.dma_semaphore, #tpu.memory_space<semaphore_mem>>)
          %add3A_157 = arith.constant 2 : i32
          %add3A_158 = arith.addi %add3A_125, %add3A_157 : i32
          %add3A_159 = arith.addi %mul3A_2, %add3A_158 : i32
          %mul3A_160 = arith.constant 128 : i32
          %mul3A_161 = arith.muli %add3A_159, %mul3A_160 : i32
          %multiple_of3A_162 = tpu.assume_multiple %mul3A_161, 8 : i32
          %dma_start3A_163 = arith.constant 0 : i32
          %dma_start3A_164 = tpu.memref_slice %arg2[%multiple_of3A_162, %dma_start3A_163] : memref<327680x128xf32, #tpu.memory_space<hbm>> -> memref<128x128xf32, #tpu.memory_space<hbm>>
          %dma_start3A_165 = arith.constant 0 : i32
          %dma_start3A_166 = tpu.memref_slice %arg2[%multiple_of3A_162, %dma_start3A_165] : memref<327680x128xf32, #tpu.memory_space<hbm>> -> memref<128x128xf32, #tpu.memory_space<hbm>>
          tpu.enqueue_dma source(%dma_start3A_166 : memref<128x128xf32, #tpu.memory_space<hbm>>) target(%arg16 : memref<128x128xf32, #tpu.memory_space<vmem>>) target_semaphore(%arg20 : memref<!tpu.dma_semaphore, #tpu.memory_space<semaphore_mem>>)
        } else {
        }
        %mul3A_135 = arith.constant 2 : i32
        %mul3A_136 = arith.muli %scan3A_80, %mul3A_135 : i32
        %add3A_137 = arith.constant 1 : i32
        %add3A_138 = arith.addi %mul3A_136, %add3A_137 : i32
        %dma_wait3A_139 = arith.constant 0 : i32
        %dma_wait3A_140 = arith.constant 0 : i32
        %dma_wait3A_141 = tpu.memref_slice %arg12[%dma_wait3A_139, %dma_wait3A_140] : memref<10240x128xf32, #tpu.memory_space<vmem_shared>> -> memref<10240x128xf32, #tpu.memory_space<vmem_shared>>
        tpu.wait_indirect_dma semaphore(%arg23 : memref<!tpu.dma_semaphore, #tpu.memory_space<semaphore_mem>>) src(%arg17 : memref<128x128xf32, #tpu.memory_space<vmem>>) dst(%dma_wait3A_141 : memref<10240x128xf32, #tpu.memory_space<vmem_shared>>)
        %add3A_142 = arith.constant 2 : i32
        %add3A_143 = arith.addi %add3A_138, %add3A_142 : i32
        %lt3A_144 = arith.constant 160 : i32
        %lt3A_145 = arith.cmpi slt, %add3A_143, %lt3A_144 : i32
        %convert_element_type3A_146 = arith.extui %lt3A_145 : i1 to i32
        %cond3A_147 = arith.constant 0 : i32
        %cond3A_148 = arith.cmpi ne, %convert_element_type3A_146, %cond3A_147 : i32
        scf.if %cond3A_148 {
          %add3A_149 = arith.constant 2 : i32
          %add3A_150 = arith.addi %add3A_138, %add3A_149 : i32
          %add3A_151 = arith.addi %mul3A_2, %add3A_150 : i32
          %mul3A_152 = arith.constant 128 : i32
          %mul3A_153 = arith.muli %add3A_151, %mul3A_152 : i32
          %multiple_of3A_154 = tpu.assume_multiple %mul3A_153, 8 : i32
          %dma_start3A_155 = tpu.memref_slice %arg4[%multiple_of3A_154] : memref<327680xi32, #tpu.memory_space<hbm>> -> memref<128xi32, #tpu.memory_space<hbm>>
          %dma_start3A_156 = tpu.memref_slice %arg4[%multiple_of3A_154] : memref<327680xi32, #tpu.memory_space<hbm>> -> memref<128xi32, #tpu.memory_space<hbm>>
          tpu.enqueue_dma source(%dma_start3A_156 : memref<128xi32, #tpu.memory_space<hbm>>) target(%arg14 : memref<128xi32, #tpu.memory_space<vmem>>) target_semaphore(%arg19 : memref<!tpu.dma_semaphore, #tpu.memory_space<semaphore_mem>>)
          %add3A_157 = arith.constant 2 : i32
          %add3A_158 = arith.addi %add3A_138, %add3A_157 : i32
          %add3A_159 = arith.addi %mul3A_2, %add3A_158 : i32
          %mul3A_160 = arith.constant 128 : i32
          %mul3A_161 = arith.muli %add3A_159, %mul3A_160 : i32
          %multiple_of3A_162 = tpu.assume_multiple %mul3A_161, 8 : i32
          %dma_start3A_163 = arith.constant 0 : i32
          %dma_start3A_164 = tpu.memref_slice %arg2[%multiple_of3A_162, %dma_start3A_163] : memref<327680x128xf32, #tpu.memory_space<hbm>> -> memref<128x128xf32, #tpu.memory_space<hbm>>
          %dma_start3A_165 = arith.constant 0 : i32
          %dma_start3A_166 = tpu.memref_slice %arg2[%multiple_of3A_162, %dma_start3A_165] : memref<327680x128xf32, #tpu.memory_space<hbm>> -> memref<128x128xf32, #tpu.memory_space<hbm>>
          tpu.enqueue_dma source(%dma_start3A_166 : memref<128x128xf32, #tpu.memory_space<hbm>>) target(%arg17 : memref<128x128xf32, #tpu.memory_space<vmem>>) target_semaphore(%arg21 : memref<!tpu.dma_semaphore, #tpu.memory_space<semaphore_mem>>)
        } else {
        }
      }
      %scan3A_79 = arith.constant 80 : i32
    } else {
    }
    %eq3A_5 = arith.constant 1 : i32
    %eq3A_6 = arith.cmpi eq, %arg0, %eq3A_5 : i32
    %convert_element_type3A_7 = arith.extui %eq3A_6 : i1 to i32
    %cond3A_8 = arith.constant 0 : i32
    %cond3A_9 = arith.cmpi ne, %convert_element_type3A_7, %cond3A_8 : i32
    scf.if %cond3A_9 {
      %add3A_43 = arith.constant 0 : i32
      %add3A_44 = arith.addi %mul3A_2, %add3A_43 : i32
      %mul3A_45 = arith.constant 128 : i32
      %mul3A_46 = arith.muli %add3A_44, %mul3A_45 : i32
      %multiple_of3A_47 = tpu.assume_multiple %mul3A_46, 8 : i32
      %dma_start3A = tpu.memref_slice %arg4[%multiple_of3A_47] : memref<327680xi32, #tpu.memory_space<hbm>> -> memref<128xi32, #tpu.memory_space<hbm>>
      %dma_start3A_48 = tpu.memref_slice %arg4[%multiple_of3A_47] : memref<327680xi32, #tpu.memory_space<hbm>> -> memref<128xi32, #tpu.memory_space<hbm>>
      tpu.enqueue_dma source(%dma_start3A_48 : memref<128xi32, #tpu.memory_space<hbm>>) target(%arg13 : memref<128xi32, #tpu.memory_space<vmem>>) target_semaphore(%arg18 : memref<!tpu.dma_semaphore, #tpu.memory_space<semaphore_mem>>)
      %add3A_49 = arith.constant 0 : i32
      %add3A_50 = arith.addi %mul3A_2, %add3A_49 : i32
      %mul3A_51 = arith.constant 128 : i32
      %mul3A_52 = arith.muli %add3A_50, %mul3A_51 : i32
      %multiple_of3A_53 = tpu.assume_multiple %mul3A_52, 8 : i32
      %dma_start3A_54 = arith.constant 0 : i32
      %dma_start3A_55 = tpu.memref_slice %arg3[%multiple_of3A_53, %dma_start3A_54] : memref<327680x128xf32, #tpu.memory_space<hbm>> -> memref<128x128xf32, #tpu.memory_space<hbm>>
      %dma_start3A_56 = arith.constant 0 : i32
      %dma_start3A_57 = tpu.memref_slice %arg3[%multiple_of3A_53, %dma_start3A_56] : memref<327680x128xf32, #tpu.memory_space<hbm>> -> memref<128x128xf32, #tpu.memory_space<hbm>>
      tpu.enqueue_dma source(%dma_start3A_57 : memref<128x128xf32, #tpu.memory_space<hbm>>) target(%arg16 : memref<128x128xf32, #tpu.memory_space<vmem>>) target_semaphore(%arg20 : memref<!tpu.dma_semaphore, #tpu.memory_space<semaphore_mem>>)
      %add3A_58 = arith.constant 1 : i32
      %add3A_59 = arith.addi %mul3A_2, %add3A_58 : i32
      %mul3A_60 = arith.constant 128 : i32
      %mul3A_61 = arith.muli %add3A_59, %mul3A_60 : i32
      %multiple_of3A_62 = tpu.assume_multiple %mul3A_61, 8 : i32
      %dma_start3A_63 = tpu.memref_slice %arg4[%multiple_of3A_62] : memref<327680xi32, #tpu.memory_space<hbm>> -> memref<128xi32, #tpu.memory_space<hbm>>
      %dma_start3A_64 = tpu.memref_slice %arg4[%multiple_of3A_62] : memref<327680xi32, #tpu.memory_space<hbm>> -> memref<128xi32, #tpu.memory_space<hbm>>
      tpu.enqueue_dma source(%dma_start3A_64 : memref<128xi32, #tpu.memory_space<hbm>>) target(%arg14 : memref<128xi32, #tpu.memory_space<vmem>>) target_semaphore(%arg19 : memref<!tpu.dma_semaphore, #tpu.memory_space<semaphore_mem>>)
      %add3A_65 = arith.constant 1 : i32
      %add3A_66 = arith.addi %mul3A_2, %add3A_65 : i32
      %mul3A_67 = arith.constant 128 : i32
      %mul3A_68 = arith.muli %add3A_66, %mul3A_67 : i32
      %multiple_of3A_69 = tpu.assume_multiple %mul3A_68, 8 : i32
      %dma_start3A_70 = arith.constant 0 : i32
      %dma_start3A_71 = tpu.memref_slice %arg3[%multiple_of3A_69, %dma_start3A_70] : memref<327680x128xf32, #tpu.memory_space<hbm>> -> memref<128x128xf32, #tpu.memory_space<hbm>>
      %dma_start3A_72 = arith.constant 0 : i32
      %dma_start3A_73 = tpu.memref_slice %arg3[%multiple_of3A_69, %dma_start3A_72] : memref<327680x128xf32, #tpu.memory_space<hbm>> -> memref<128x128xf32, #tpu.memory_space<hbm>>
      tpu.enqueue_dma source(%dma_start3A_73 : memref<128x128xf32, #tpu.memory_space<hbm>>) target(%arg17 : memref<128x128xf32, #tpu.memory_space<vmem>>) target_semaphore(%arg21 : memref<!tpu.dma_semaphore, #tpu.memory_space<semaphore_mem>>)
      %scan3A_74 = arith.constant 0 : i32
      %scan3A_75 = arith.constant 0 : i32
      %scan3A_76 = arith.constant 80 : i32
      %scan3A_77 = arith.addi %scan3A_75, %scan3A_76 : i32
      %scan3A_78 = arith.constant 1 : i32
      scf.for %scan3A_80 = %scan3A_75 to %scan3A_77 step %scan3A_78  : i32 {
        %mul3A_81 = arith.constant 2 : i32
        %mul3A_82 = arith.muli %scan3A_80, %mul3A_81 : i32
        %add3A_83 = arith.constant 0 : i32
        %add3A_84 = arith.addi %mul3A_82, %add3A_83 : i32
        %add3A_85 = arith.addi %mul3A_2, %add3A_84 : i32
        %mul3A_86 = arith.constant 128 : i32
        %mul3A_87 = arith.muli %add3A_85, %mul3A_86 : i32
        %multiple_of3A_88 = tpu.assume_multiple %mul3A_87, 8 : i32
        %dma_wait3A = tpu.memref_slice %arg4[%multiple_of3A_88] : memref<327680xi32, #tpu.memory_space<hbm>> -> memref<128xi32, #tpu.memory_space<hbm>>
        %dma_wait3A_89 = tpu.memref_slice %arg4[%multiple_of3A_88] : memref<327680xi32, #tpu.memory_space<hbm>> -> memref<128xi32, #tpu.memory_space<hbm>>
        tpu.wait_dma2 semaphore(%arg18 : memref<!tpu.dma_semaphore, #tpu.memory_space<semaphore_mem>>) src(%dma_wait3A_89 : memref<128xi32, #tpu.memory_space<hbm>>) dst(%arg13 : memref<128xi32, #tpu.memory_space<vmem>>)
        %add3A_90 = arith.addi %mul3A_2, %add3A_84 : i32
        %mul3A_91 = arith.constant 128 : i32
        %mul3A_92 = arith.muli %add3A_90, %mul3A_91 : i32
        %multiple_of3A_93 = tpu.assume_multiple %mul3A_92, 8 : i32
        %dma_wait3A_94 = arith.constant 0 : i32
        %dma_wait3A_95 = tpu.memref_slice %arg3[%multiple_of3A_93, %dma_wait3A_94] : memref<327680x128xf32, #tpu.memory_space<hbm>> -> memref<128x128xf32, #tpu.memory_space<hbm>>
        %dma_wait3A_96 = arith.constant 0 : i32
        %dma_wait3A_97 = tpu.memref_slice %arg3[%multiple_of3A_93, %dma_wait3A_96] : memref<327680x128xf32, #tpu.memory_space<hbm>> -> memref<128x128xf32, #tpu.memory_space<hbm>>
        tpu.wait_dma2 semaphore(%arg20 : memref<!tpu.dma_semaphore, #tpu.memory_space<semaphore_mem>>) src(%dma_wait3A_97 : memref<128x128xf32, #tpu.memory_space<hbm>>) dst(%arg16 : memref<128x128xf32, #tpu.memory_space<vmem>>)
        %dma_start3A_98 = arith.constant 0 : i32
        %dma_start3A_99 = arith.constant 0 : i32
        %dma_start3A_100 = tpu.memref_slice %arg12[%dma_start3A_98, %dma_start3A_99] : memref<10240x128xf32, #tpu.memory_space<vmem_shared>> -> memref<10240x128xf32, #tpu.memory_space<vmem_shared>>
        tpu.enqueue_indirect_dma source(%arg16 : memref<128x128xf32, #tpu.memory_space<vmem>>) target(%dma_start3A_100 : memref<10240x128xf32, #tpu.memory_space<vmem_shared>>) offsets(%arg13 : memref<128xi32, #tpu.memory_space<vmem>>) semaphore(%arg22 : memref<!tpu.dma_semaphore, #tpu.memory_space<semaphore_mem>>) {add = true}
        %mul3A_101 = arith.constant 2 : i32
        %mul3A_102 = arith.muli %scan3A_80, %mul3A_101 : i32
        %add3A_103 = arith.constant 1 : i32
        %add3A_104 = arith.addi %mul3A_102, %add3A_103 : i32
        %add3A_105 = arith.addi %mul3A_2, %add3A_104 : i32
        %mul3A_106 = arith.constant 128 : i32
        %mul3A_107 = arith.muli %add3A_105, %mul3A_106 : i32
        %multiple_of3A_108 = tpu.assume_multiple %mul3A_107, 8 : i32
        %dma_wait3A_109 = tpu.memref_slice %arg4[%multiple_of3A_108] : memref<327680xi32, #tpu.memory_space<hbm>> -> memref<128xi32, #tpu.memory_space<hbm>>
        %dma_wait3A_110 = tpu.memref_slice %arg4[%multiple_of3A_108] : memref<327680xi32, #tpu.memory_space<hbm>> -> memref<128xi32, #tpu.memory_space<hbm>>
        tpu.wait_dma2 semaphore(%arg19 : memref<!tpu.dma_semaphore, #tpu.memory_space<semaphore_mem>>) src(%dma_wait3A_110 : memref<128xi32, #tpu.memory_space<hbm>>) dst(%arg14 : memref<128xi32, #tpu.memory_space<vmem>>)
        %add3A_111 = arith.addi %mul3A_2, %add3A_104 : i32
        %mul3A_112 = arith.constant 128 : i32
        %mul3A_113 = arith.muli %add3A_111, %mul3A_112 : i32
        %multiple_of3A_114 = tpu.assume_multiple %mul3A_113, 8 : i32
        %dma_wait3A_115 = arith.constant 0 : i32
        %dma_wait3A_116 = tpu.memref_slice %arg3[%multiple_of3A_114, %dma_wait3A_115] : memref<327680x128xf32, #tpu.memory_space<hbm>> -> memref<128x128xf32, #tpu.memory_space<hbm>>
        %dma_wait3A_117 = arith.constant 0 : i32
        %dma_wait3A_118 = tpu.memref_slice %arg3[%multiple_of3A_114, %dma_wait3A_117] : memref<327680x128xf32, #tpu.memory_space<hbm>> -> memref<128x128xf32, #tpu.memory_space<hbm>>
        tpu.wait_dma2 semaphore(%arg21 : memref<!tpu.dma_semaphore, #tpu.memory_space<semaphore_mem>>) src(%dma_wait3A_118 : memref<128x128xf32, #tpu.memory_space<hbm>>) dst(%arg17 : memref<128x128xf32, #tpu.memory_space<vmem>>)
        %dma_start3A_119 = arith.constant 0 : i32
        %dma_start3A_120 = arith.constant 0 : i32
        %dma_start3A_121 = tpu.memref_slice %arg12[%dma_start3A_119, %dma_start3A_120] : memref<10240x128xf32, #tpu.memory_space<vmem_shared>> -> memref<10240x128xf32, #tpu.memory_space<vmem_shared>>
        tpu.enqueue_indirect_dma source(%arg17 : memref<128x128xf32, #tpu.memory_space<vmem>>) target(%dma_start3A_121 : memref<10240x128xf32, #tpu.memory_space<vmem_shared>>) offsets(%arg14 : memref<128xi32, #tpu.memory_space<vmem>>) semaphore(%arg23 : memref<!tpu.dma_semaphore, #tpu.memory_space<semaphore_mem>>) {add = true}
        %mul3A_122 = arith.constant 2 : i32
        %mul3A_123 = arith.muli %scan3A_80, %mul3A_122 : i32
        %add3A_124 = arith.constant 0 : i32
        %add3A_125 = arith.addi %mul3A_123, %add3A_124 : i32
        %dma_wait3A_126 = arith.constant 0 : i32
        %dma_wait3A_127 = arith.constant 0 : i32
        %dma_wait3A_128 = tpu.memref_slice %arg12[%dma_wait3A_126, %dma_wait3A_127] : memref<10240x128xf32, #tpu.memory_space<vmem_shared>> -> memref<10240x128xf32, #tpu.memory_space<vmem_shared>>
        tpu.wait_indirect_dma semaphore(%arg22 : memref<!tpu.dma_semaphore, #tpu.memory_space<semaphore_mem>>) src(%arg16 : memref<128x128xf32, #tpu.memory_space<vmem>>) dst(%dma_wait3A_128 : memref<10240x128xf32, #tpu.memory_space<vmem_shared>>)
        %add3A_129 = arith.constant 2 : i32
        %add3A_130 = arith.addi %add3A_125, %add3A_129 : i32
        %lt3A = arith.constant 160 : i32
        %lt3A_131 = arith.cmpi slt, %add3A_130, %lt3A : i32
        %convert_element_type3A_132 = arith.extui %lt3A_131 : i1 to i32
        %cond3A_133 = arith.constant 0 : i32
        %cond3A_134 = arith.cmpi ne, %convert_element_type3A_132, %cond3A_133 : i32
        scf.if %cond3A_134 {
          %add3A_149 = arith.constant 2 : i32
          %add3A_150 = arith.addi %add3A_125, %add3A_149 : i32
          %add3A_151 = arith.addi %mul3A_2, %add3A_150 : i32
          %mul3A_152 = arith.constant 128 : i32
          %mul3A_153 = arith.muli %add3A_151, %mul3A_152 : i32
          %multiple_of3A_154 = tpu.assume_multiple %mul3A_153, 8 : i32
          %dma_start3A_155 = tpu.memref_slice %arg4[%multiple_of3A_154] : memref<327680xi32, #tpu.memory_space<hbm>> -> memref<128xi32, #tpu.memory_space<hbm>>
          %dma_start3A_156 = tpu.memref_slice %arg4[%multiple_of3A_154] : memref<327680xi32, #tpu.memory_space<hbm>> -> memref<128xi32, #tpu.memory_space<hbm>>
          tpu.enqueue_dma source(%dma_start3A_156 : memref<128xi32, #tpu.memory_space<hbm>>) target(%arg13 : memref<128xi32, #tpu.memory_space<vmem>>) target_semaphore(%arg18 : memref<!tpu.dma_semaphore, #tpu.memory_space<semaphore_mem>>)
          %add3A_157 = arith.constant 2 : i32
          %add3A_158 = arith.addi %add3A_125, %add3A_157 : i32
          %add3A_159 = arith.addi %mul3A_2, %add3A_158 : i32
          %mul3A_160 = arith.constant 128 : i32
          %mul3A_161 = arith.muli %add3A_159, %mul3A_160 : i32
          %multiple_of3A_162 = tpu.assume_multiple %mul3A_161, 8 : i32
          %dma_start3A_163 = arith.constant 0 : i32
          %dma_start3A_164 = tpu.memref_slice %arg3[%multiple_of3A_162, %dma_start3A_163] : memref<327680x128xf32, #tpu.memory_space<hbm>> -> memref<128x128xf32, #tpu.memory_space<hbm>>
          %dma_start3A_165 = arith.constant 0 : i32
          %dma_start3A_166 = tpu.memref_slice %arg3[%multiple_of3A_162, %dma_start3A_165] : memref<327680x128xf32, #tpu.memory_space<hbm>> -> memref<128x128xf32, #tpu.memory_space<hbm>>
          tpu.enqueue_dma source(%dma_start3A_166 : memref<128x128xf32, #tpu.memory_space<hbm>>) target(%arg16 : memref<128x128xf32, #tpu.memory_space<vmem>>) target_semaphore(%arg20 : memref<!tpu.dma_semaphore, #tpu.memory_space<semaphore_mem>>)
        } else {
        }
        %mul3A_135 = arith.constant 2 : i32
        %mul3A_136 = arith.muli %scan3A_80, %mul3A_135 : i32
        %add3A_137 = arith.constant 1 : i32
        %add3A_138 = arith.addi %mul3A_136, %add3A_137 : i32
        %dma_wait3A_139 = arith.constant 0 : i32
        %dma_wait3A_140 = arith.constant 0 : i32
        %dma_wait3A_141 = tpu.memref_slice %arg12[%dma_wait3A_139, %dma_wait3A_140] : memref<10240x128xf32, #tpu.memory_space<vmem_shared>> -> memref<10240x128xf32, #tpu.memory_space<vmem_shared>>
        tpu.wait_indirect_dma semaphore(%arg23 : memref<!tpu.dma_semaphore, #tpu.memory_space<semaphore_mem>>) src(%arg17 : memref<128x128xf32, #tpu.memory_space<vmem>>) dst(%dma_wait3A_141 : memref<10240x128xf32, #tpu.memory_space<vmem_shared>>)
        %add3A_142 = arith.constant 2 : i32
        %add3A_143 = arith.addi %add3A_138, %add3A_142 : i32
        %lt3A_144 = arith.constant 160 : i32
        %lt3A_145 = arith.cmpi slt, %add3A_143, %lt3A_144 : i32
        %convert_element_type3A_146 = arith.extui %lt3A_145 : i1 to i32
        %cond3A_147 = arith.constant 0 : i32
        %cond3A_148 = arith.cmpi ne, %convert_element_type3A_146, %cond3A_147 : i32
        scf.if %cond3A_148 {
          %add3A_149 = arith.constant 2 : i32
          %add3A_150 = arith.addi %add3A_138, %add3A_149 : i32
          %add3A_151 = arith.addi %mul3A_2, %add3A_150 : i32
          %mul3A_152 = arith.constant 128 : i32
          %mul3A_153 = arith.muli %add3A_151, %mul3A_152 : i32
          %multiple_of3A_154 = tpu.assume_multiple %mul3A_153, 8 : i32
          %dma_start3A_155 = tpu.memref_slice %arg4[%multiple_of3A_154] : memref<327680xi32, #tpu.memory_space<hbm>> -> memref<128xi32, #tpu.memory_space<hbm>>
          %dma_start3A_156 = tpu.memref_slice %arg4[%multiple_of3A_154] : memref<327680xi32, #tpu.memory_space<hbm>> -> memref<128xi32, #tpu.memory_space<hbm>>
          tpu.enqueue_dma source(%dma_start3A_156 : memref<128xi32, #tpu.memory_space<hbm>>) target(%arg14 : memref<128xi32, #tpu.memory_space<vmem>>) target_semaphore(%arg19 : memref<!tpu.dma_semaphore, #tpu.memory_space<semaphore_mem>>)
          %add3A_157 = arith.constant 2 : i32
          %add3A_158 = arith.addi %add3A_138, %add3A_157 : i32
          %add3A_159 = arith.addi %mul3A_2, %add3A_158 : i32
          %mul3A_160 = arith.constant 128 : i32
          %mul3A_161 = arith.muli %add3A_159, %mul3A_160 : i32
          %multiple_of3A_162 = tpu.assume_multiple %mul3A_161, 8 : i32
          %dma_start3A_163 = arith.constant 0 : i32
          %dma_start3A_164 = tpu.memref_slice %arg3[%multiple_of3A_162, %dma_start3A_163] : memref<327680x128xf32, #tpu.memory_space<hbm>> -> memref<128x128xf32, #tpu.memory_space<hbm>>
          %dma_start3A_165 = arith.constant 0 : i32
          %dma_start3A_166 = tpu.memref_slice %arg3[%multiple_of3A_162, %dma_start3A_165] : memref<327680x128xf32, #tpu.memory_space<hbm>> -> memref<128x128xf32, #tpu.memory_space<hbm>>
          tpu.enqueue_dma source(%dma_start3A_166 : memref<128x128xf32, #tpu.memory_space<hbm>>) target(%arg17 : memref<128x128xf32, #tpu.memory_space<vmem>>) target_semaphore(%arg21 : memref<!tpu.dma_semaphore, #tpu.memory_space<semaphore_mem>>)
        } else {
        }
      }
      %scan3A_79 = arith.constant 80 : i32
    } else {
    }
    %barrier3A_10 = arith.constant 0 : index
    tpu.barrier barrier_id(%barrier3A_10)
    %eq3A_11 = arith.constant 0 : i32
    %eq3A_12 = arith.cmpi eq, %arg0, %eq3A_11 : i32
    %convert_element_type3A_13 = arith.extui %eq3A_12 : i1 to i32
    %cond3A_14 = arith.constant 0 : i32
    %cond3A_15 = arith.cmpi ne, %convert_element_type3A_13, %cond3A_14 : i32
    scf.if %cond3A_15 {
      "tpu.region"() ({
        %run_scoped3A = tpu.sem_alloc : memref<!tpu.dma_semaphore, #tpu.memory_space<semaphore_mem>>
        %dma_start3A = arith.constant 0 : i32
        %dma_start3A_43 = tpu.memref_slice %arg8[%multiple_of3A, %dma_start3A] : memref<10240x128xf32, #tpu.memory_space<hbm>> -> memref<640x128xf32, #tpu.memory_space<hbm>>
        %dma_start3A_44 = arith.constant 0 : i32
        %dma_start3A_45 = tpu.memref_slice %arg12[%multiple_of3A, %dma_start3A_44] : memref<10240x128xf32, #tpu.memory_space<vmem_shared>> -> memref<640x128xf32, #tpu.memory_space<vmem_shared>>
        tpu.enqueue_dma source(%dma_start3A_45 : memref<640x128xf32, #tpu.memory_space<vmem_shared>>) target(%dma_start3A_43 : memref<640x128xf32, #tpu.memory_space<hbm>>) target_semaphore(%run_scoped3A : memref<!tpu.dma_semaphore, #tpu.memory_space<semaphore_mem>>)
        %dma_wait3A = arith.constant 0 : i32
        %dma_wait3A_46 = tpu.memref_slice %arg8[%multiple_of3A, %dma_wait3A] : memref<10240x128xf32, #tpu.memory_space<hbm>> -> memref<640x128xf32, #tpu.memory_space<hbm>>
        %dma_wait3A_47 = arith.constant 0 : i32
        %dma_wait3A_48 = tpu.memref_slice %arg12[%multiple_of3A, %dma_wait3A_47] : memref<10240x128xf32, #tpu.memory_space<vmem_shared>> -> memref<640x128xf32, #tpu.memory_space<vmem_shared>>
        tpu.wait_dma2 semaphore(%run_scoped3A : memref<!tpu.dma_semaphore, #tpu.memory_space<semaphore_mem>>) src(%dma_wait3A_48 : memref<640x128xf32, #tpu.memory_space<vmem_shared>>) dst(%dma_wait3A_46 : memref<640x128xf32, #tpu.memory_space<hbm>>)
        tpu.yield
      }) : () -> ()
    } else {
    }
    %eq3A_16 = arith.constant 1 : i32
    %eq3A_17 = arith.cmpi eq, %arg0, %eq3A_16 : i32
    %convert_element_type3A_18 = arith.extui %eq3A_17 : i1 to i32
    %cond3A_19 = arith.constant 0 : i32
    %cond3A_20 = arith.cmpi ne, %convert_element_type3A_18, %cond3A_19 : i32
    scf.if %cond3A_20 {
      "tpu.region"() ({
        %run_scoped3A = tpu.sem_alloc : memref<!tpu.dma_semaphore, #tpu.memory_space<semaphore_mem>>
        %dma_start3A = arith.constant 0 : i32
        %dma_start3A_43 = tpu.memref_slice %arg9[%multiple_of3A, %dma_start3A] : memref<10240x128xf32, #tpu.memory_space<hbm>> -> memref<640x128xf32, #tpu.memory_space<hbm>>
        %dma_start3A_44 = arith.constant 0 : i32
        %dma_start3A_45 = tpu.memref_slice %arg12[%multiple_of3A, %dma_start3A_44] : memref<10240x128xf32, #tpu.memory_space<vmem_shared>> -> memref<640x128xf32, #tpu.memory_space<vmem_shared>>
        tpu.enqueue_dma source(%dma_start3A_45 : memref<640x128xf32, #tpu.memory_space<vmem_shared>>) target(%dma_start3A_43 : memref<640x128xf32, #tpu.memory_space<hbm>>) target_semaphore(%run_scoped3A : memref<!tpu.dma_semaphore, #tpu.memory_space<semaphore_mem>>)
        %dma_wait3A = arith.constant 0 : i32
        %dma_wait3A_46 = tpu.memref_slice %arg9[%multiple_of3A, %dma_wait3A] : memref<10240x128xf32, #tpu.memory_space<hbm>> -> memref<640x128xf32, #tpu.memory_space<hbm>>
        %dma_wait3A_47 = arith.constant 0 : i32
        %dma_wait3A_48 = tpu.memref_slice %arg12[%multiple_of3A, %dma_wait3A_47] : memref<10240x128xf32, #tpu.memory_space<vmem_shared>> -> memref<640x128xf32, #tpu.memory_space<vmem_shared>>
        tpu.wait_dma2 semaphore(%run_scoped3A : memref<!tpu.dma_semaphore, #tpu.memory_space<semaphore_mem>>) src(%dma_wait3A_48 : memref<640x128xf32, #tpu.memory_space<vmem_shared>>) dst(%dma_wait3A_46 : memref<640x128xf32, #tpu.memory_space<hbm>>)
        tpu.yield
      }) : () -> ()
    } else {
    }
    "tpu.region"() ({
      %run_scoped3A = tpu.sem_alloc : memref<!tpu.dma_semaphore, #tpu.memory_space<semaphore_mem>>
      %dma_start3A = arith.constant 0 : i32
      %dma_start3A_43 = tpu.memref_slice %arg12[%multiple_of3A, %dma_start3A] : memref<10240x128xf32, #tpu.memory_space<vmem_shared>> -> memref<640x128xf32, #tpu.memory_space<vmem_shared>>
      %dma_start3A_44 = arith.constant 0 : i32
      %dma_start3A_45 = tpu.memref_slice %arg6[%multiple_of3A, %dma_start3A_44] : memref<10240x128xf32, #tpu.memory_space<hbm>> -> memref<640x128xf32, #tpu.memory_space<hbm>>
      tpu.enqueue_dma source(%dma_start3A_45 : memref<640x128xf32, #tpu.memory_space<hbm>>) target(%dma_start3A_43 : memref<640x128xf32, #tpu.memory_space<vmem_shared>>) target_semaphore(%run_scoped3A : memref<!tpu.dma_semaphore, #tpu.memory_space<semaphore_mem>>)
      %dma_wait3A = arith.constant 0 : i32
      %dma_wait3A_46 = tpu.memref_slice %arg12[%multiple_of3A, %dma_wait3A] : memref<10240x128xf32, #tpu.memory_space<vmem_shared>> -> memref<640x128xf32, #tpu.memory_space<vmem_shared>>
      %dma_wait3A_47 = arith.constant 0 : i32
      %dma_wait3A_48 = tpu.memref_slice %arg6[%multiple_of3A, %dma_wait3A_47] : memref<10240x128xf32, #tpu.memory_space<hbm>> -> memref<640x128xf32, #tpu.memory_space<hbm>>
      tpu.wait_dma2 semaphore(%run_scoped3A : memref<!tpu.dma_semaphore, #tpu.memory_space<semaphore_mem>>) src(%dma_wait3A_48 : memref<640x128xf32, #tpu.memory_space<hbm>>) dst(%dma_wait3A_46 : memref<640x128xf32, #tpu.memory_space<vmem_shared>>)
      tpu.yield
    }) : () -> ()
    "tpu.region"() ({
      %run_scoped3A = tpu.sem_alloc : memref<!tpu.dma_semaphore, #tpu.memory_space<semaphore_mem>>
      tpu.enqueue_dma source(%arg7 : memref<128x128xf32, #tpu.memory_space<hbm>>) target(%arg16 : memref<128x128xf32, #tpu.memory_space<vmem>>) target_semaphore(%run_scoped3A : memref<!tpu.dma_semaphore, #tpu.memory_space<semaphore_mem>>)
      tpu.wait_dma2 semaphore(%run_scoped3A : memref<!tpu.dma_semaphore, #tpu.memory_space<semaphore_mem>>) src(%arg7 : memref<128x128xf32, #tpu.memory_space<hbm>>) dst(%arg16 : memref<128x128xf32, #tpu.memory_space<vmem>>)
      tpu.yield
    }) : () -> ()
    %mul3A_21 = arith.constant 16 : i32
    %mul3A_22 = arith.muli %arg0, %mul3A_21 : i32
    %add3A = arith.addi %mul3A_22, %arg1 : i32
    %mul3A_23 = arith.constant 80 : i32
    %mul3A_24 = arith.muli %add3A, %mul3A_23 : i32
    %multiple_of3A_25 = tpu.assume_multiple %mul3A_24, 8 : i32
    "tpu.region"() ({
      %run_scoped3A = tpu.sem_alloc : memref<!tpu.dma_semaphore, #tpu.memory_space<semaphore_mem>>
      %dma_start3A = arith.constant 0 : i32
      %dma_start3A_43 = tpu.memref_slice %arg5[%multiple_of3A_25, %dma_start3A] : memref<2560x128xi32, #tpu.memory_space<hbm>> -> memref<80x128xi32, #tpu.memory_space<hbm>>
      %dma_start3A_44 = arith.constant 0 : i32
      %dma_start3A_45 = tpu.memref_slice %arg5[%multiple_of3A_25, %dma_start3A_44] : memref<2560x128xi32, #tpu.memory_space<hbm>> -> memref<80x128xi32, #tpu.memory_space<hbm>>
      tpu.enqueue_dma source(%dma_start3A_45 : memref<80x128xi32, #tpu.memory_space<hbm>>) target(%arg15 : memref<80x128xi32, #tpu.memory_space<vmem>>) target_semaphore(%run_scoped3A : memref<!tpu.dma_semaphore, #tpu.memory_space<semaphore_mem>>)
      %dma_wait3A = arith.constant 0 : i32
      %dma_wait3A_46 = tpu.memref_slice %arg5[%multiple_of3A_25, %dma_wait3A] : memref<2560x128xi32, #tpu.memory_space<hbm>> -> memref<80x128xi32, #tpu.memory_space<hbm>>
      %dma_wait3A_47 = arith.constant 0 : i32
      %dma_wait3A_48 = tpu.memref_slice %arg5[%multiple_of3A_25, %dma_wait3A_47] : memref<2560x128xi32, #tpu.memory_space<hbm>> -> memref<80x128xi32, #tpu.memory_space<hbm>>
      tpu.wait_dma2 semaphore(%run_scoped3A : memref<!tpu.dma_semaphore, #tpu.memory_space<semaphore_mem>>) src(%dma_wait3A_48 : memref<80x128xi32, #tpu.memory_space<hbm>>) dst(%arg15 : memref<80x128xi32, #tpu.memory_space<vmem>>)
      tpu.yield
    }) : () -> ()
    %barrier3A_26 = arith.constant 0 : index
    tpu.barrier barrier_id(%barrier3A_26)
    %scan3A = arith.constant 0 : i32
    %scan3A_27 = arith.constant 0 : i32
    %scan3A_28 = arith.constant 40 : i32
    %scan3A_29 = arith.addi %scan3A_27, %scan3A_28 : i32
    %scan3A_30 = arith.constant 1 : i32
    scf.for %scan3A_43 = %scan3A_27 to %scan3A_29 step %scan3A_30  : i32 {
      %mul3A_44 = arith.constant 2 : i32
      %mul3A_45 = arith.muli %scan3A_43, %mul3A_44 : i32
      %add3A_46 = arith.constant 0 : i32
      %add3A_47 = arith.addi %mul3A_45, %add3A_46 : i32
      %dma_start3A = arith.constant 0 : i32
      %dma_start3A_48 = tpu.memref_slice %arg15[%add3A_47, %dma_start3A] : memref<80x128xi32, #tpu.memory_space<vmem>> -> memref<1x128xi32, #tpu.memory_space<vmem>>
      %dma_start3A_49 = tpu.memref_squeeze %dma_start3A_48 : memref<1x128xi32, #tpu.memory_space<vmem>> -> memref<128xi32, #tpu.memory_space<vmem>>
      %dma_start3A_50 = arith.constant 0 : i32
      %dma_start3A_51 = arith.constant 0 : i32
      %dma_start3A_52 = tpu.memref_slice %arg12[%dma_start3A_50, %dma_start3A_51] : memref<10240x128xf32, #tpu.memory_space<vmem_shared>> -> memref<10240x128xf32, #tpu.memory_space<vmem_shared>>
      tpu.enqueue_indirect_dma source(%arg16 : memref<128x128xf32, #tpu.memory_space<vmem>>) target(%dma_start3A_52 : memref<10240x128xf32, #tpu.memory_space<vmem_shared>>) offsets(%dma_start3A_49 : memref<128xi32, #tpu.memory_space<vmem>>) semaphore(%arg22 : memref<!tpu.dma_semaphore, #tpu.memory_space<semaphore_mem>>) {add = true}
      %mul3A_53 = arith.constant 2 : i32
      %mul3A_54 = arith.muli %scan3A_43, %mul3A_53 : i32
      %add3A_55 = arith.constant 1 : i32
      %add3A_56 = arith.addi %mul3A_54, %add3A_55 : i32
      %dma_start3A_57 = arith.constant 0 : i32
      %dma_start3A_58 = tpu.memref_slice %arg15[%add3A_56, %dma_start3A_57] : memref<80x128xi32, #tpu.memory_space<vmem>> -> memref<1x128xi32, #tpu.memory_space<vmem>>
      %dma_start3A_59 = tpu.memref_squeeze %dma_start3A_58 : memref<1x128xi32, #tpu.memory_space<vmem>> -> memref<128xi32, #tpu.memory_space<vmem>>
      %dma_start3A_60 = arith.constant 0 : i32
      %dma_start3A_61 = arith.constant 0 : i32
      %dma_start3A_62 = tpu.memref_slice %arg12[%dma_start3A_60, %dma_start3A_61] : memref<10240x128xf32, #tpu.memory_space<vmem_shared>> -> memref<10240x128xf32, #tpu.memory_space<vmem_shared>>
      tpu.enqueue_indirect_dma source(%arg16 : memref<128x128xf32, #tpu.memory_space<vmem>>) target(%dma_start3A_62 : memref<10240x128xf32, #tpu.memory_space<vmem_shared>>) offsets(%dma_start3A_59 : memref<128xi32, #tpu.memory_space<vmem>>) semaphore(%arg23 : memref<!tpu.dma_semaphore, #tpu.memory_space<semaphore_mem>>) {add = true}
      %dma_wait3A = arith.constant 0 : i32
      %dma_wait3A_63 = tpu.memref_slice %arg15[%add3A_47, %dma_wait3A] : memref<80x128xi32, #tpu.memory_space<vmem>> -> memref<1x128xi32, #tpu.memory_space<vmem>>
      %dma_wait3A_64 = tpu.memref_squeeze %dma_wait3A_63 : memref<1x128xi32, #tpu.memory_space<vmem>> -> memref<128xi32, #tpu.memory_space<vmem>>
      %dma_wait3A_65 = arith.constant 0 : i32
      %dma_wait3A_66 = arith.constant 0 : i32
      %dma_wait3A_67 = tpu.memref_slice %arg12[%dma_wait3A_65, %dma_wait3A_66] : memref<10240x128xf32, #tpu.memory_space<vmem_shared>> -> memref<10240x128xf32, #tpu.memory_space<vmem_shared>>
      tpu.wait_indirect_dma semaphore(%arg22 : memref<!tpu.dma_semaphore, #tpu.memory_space<semaphore_mem>>) src(%arg16 : memref<128x128xf32, #tpu.memory_space<vmem>>) dst(%dma_wait3A_67 : memref<10240x128xf32, #tpu.memory_space<vmem_shared>>)
      %dma_wait3A_68 = arith.constant 0 : i32
      %dma_wait3A_69 = tpu.memref_slice %arg15[%add3A_56, %dma_wait3A_68] : memref<80x128xi32, #tpu.memory_space<vmem>> -> memref<1x128xi32, #tpu.memory_space<vmem>>
      %dma_wait3A_70 = tpu.memref_squeeze %dma_wait3A_69 : memref<1x128xi32, #tpu.memory_space<vmem>> -> memref<128xi32, #tpu.memory_space<vmem>>
      %dma_wait3A_71 = arith.constant 0 : i32
      %dma_wait3A_72 = arith.constant 0 : i32
      %dma_wait3A_73 = tpu.memref_slice %arg12[%dma_wait3A_71, %dma_wait3A_72] : memref<10240x128xf32, #tpu.memory_space<vmem_shared>> -> memref<10240x128xf32, #tpu.memory_space<vmem_shared>>
      tpu.wait_indirect_dma semaphore(%arg23 : memref<!tpu.dma_semaphore, #tpu.memory_space<semaphore_mem>>) src(%arg16 : memref<128x128xf32, #tpu.memory_space<vmem>>) dst(%dma_wait3A_73 : memref<10240x128xf32, #tpu.memory_space<vmem_shared>>)
    }
    %scan3A_31 = arith.constant 40 : i32
    %barrier3A_32 = arith.constant 0 : index
    tpu.barrier barrier_id(%barrier3A_32)
    %eq3A_33 = arith.constant 0 : i32
    %eq3A_34 = arith.cmpi eq, %arg0, %eq3A_33 : i32
    %convert_element_type3A_35 = arith.extui %eq3A_34 : i1 to i32
    %cond3A_36 = arith.constant 0 : i32
    %cond3A_37 = arith.cmpi ne, %convert_element_type3A_35, %cond3A_36 : i32
    scf.if %cond3A_37 {
      "tpu.region"() ({
        %run_scoped3A = tpu.sem_alloc : memref<!tpu.dma_semaphore, #tpu.memory_space<semaphore_mem>>
        %dma_start3A = arith.constant 0 : i32
        %dma_start3A_43 = tpu.memref_slice %arg10[%multiple_of3A, %dma_start3A] : memref<10240x128xf32, #tpu.memory_space<hbm>> -> memref<640x128xf32, #tpu.memory_space<hbm>>
        %dma_start3A_44 = arith.constant 0 : i32
        %dma_start3A_45 = tpu.memref_slice %arg12[%multiple_of3A, %dma_start3A_44] : memref<10240x128xf32, #tpu.memory_space<vmem_shared>> -> memref<640x128xf32, #tpu.memory_space<vmem_shared>>
        tpu.enqueue_dma source(%dma_start3A_45 : memref<640x128xf32, #tpu.memory_space<vmem_shared>>) target(%dma_start3A_43 : memref<640x128xf32, #tpu.memory_space<hbm>>) target_semaphore(%run_scoped3A : memref<!tpu.dma_semaphore, #tpu.memory_space<semaphore_mem>>)
        %dma_wait3A = arith.constant 0 : i32
        %dma_wait3A_46 = tpu.memref_slice %arg10[%multiple_of3A, %dma_wait3A] : memref<10240x128xf32, #tpu.memory_space<hbm>> -> memref<640x128xf32, #tpu.memory_space<hbm>>
        %dma_wait3A_47 = arith.constant 0 : i32
        %dma_wait3A_48 = tpu.memref_slice %arg12[%multiple_of3A, %dma_wait3A_47] : memref<10240x128xf32, #tpu.memory_space<vmem_shared>> -> memref<640x128xf32, #tpu.memory_space<vmem_shared>>
        tpu.wait_dma2 semaphore(%run_scoped3A : memref<!tpu.dma_semaphore, #tpu.memory_space<semaphore_mem>>) src(%dma_wait3A_48 : memref<640x128xf32, #tpu.memory_space<vmem_shared>>) dst(%dma_wait3A_46 : memref<640x128xf32, #tpu.memory_space<hbm>>)
        tpu.yield
      }) : () -> ()
    } else {
    }
    %eq3A_38 = arith.constant 1 : i32
    %eq3A_39 = arith.cmpi eq, %arg0, %eq3A_38 : i32
    %convert_element_type3A_40 = arith.extui %eq3A_39 : i1 to i32
    %cond3A_41 = arith.constant 0 : i32
    %cond3A_42 = arith.cmpi ne, %convert_element_type3A_40, %cond3A_41 : i32
    scf.if %cond3A_42 {
      "tpu.region"() ({
        %run_scoped3A = tpu.sem_alloc : memref<!tpu.dma_semaphore, #tpu.memory_space<semaphore_mem>>
        %dma_start3A = arith.constant 0 : i32
        %dma_start3A_43 = tpu.memref_slice %arg11[%multiple_of3A, %dma_start3A] : memref<10240x128xf32, #tpu.memory_space<hbm>> -> memref<640x128xf32, #tpu.memory_space<hbm>>
        %dma_start3A_44 = arith.constant 0 : i32
        %dma_start3A_45 = tpu.memref_slice %arg12[%multiple_of3A, %dma_start3A_44] : memref<10240x128xf32, #tpu.memory_space<vmem_shared>> -> memref<640x128xf32, #tpu.memory_space<vmem_shared>>
        tpu.enqueue_dma source(%dma_start3A_45 : memref<640x128xf32, #tpu.memory_space<vmem_shared>>) target(%dma_start3A_43 : memref<640x128xf32, #tpu.memory_space<hbm>>) target_semaphore(%run_scoped3A : memref<!tpu.dma_semaphore, #tpu.memory_space<semaphore_mem>>)
        %dma_wait3A = arith.constant 0 : i32
        %dma_wait3A_46 = tpu.memref_slice %arg11[%multiple_of3A, %dma_wait3A] : memref<10240x128xf32, #tpu.memory_space<hbm>> -> memref<640x128xf32, #tpu.memory_space<hbm>>
        %dma_wait3A_47 = arith.constant 0 : i32
        %dma_wait3A_48 = tpu.memref_slice %arg12[%multiple_of3A, %dma_wait3A_47] : memref<10240x128xf32, #tpu.memory_space<vmem_shared>> -> memref<640x128xf32, #tpu.memory_space<vmem_shared>>
        tpu.wait_dma2 semaphore(%run_scoped3A : memref<!tpu.dma_semaphore, #tpu.memory_space<semaphore_mem>>) src(%dma_wait3A_48 : memref<640x128xf32, #tpu.memory_space<vmem_shared>>) dst(%dma_wait3A_46 : memref<640x128xf32, #tpu.memory_space<hbm>>)
        tpu.yield
      }) : () -> ()
    } else {
    }
    return
  }
}

module attributes {stable_mosaic.version = 14 : i64} {
  func.func @body(%arg0: i32, %arg1: memref<2560x128xf32, #tpu.memory_space<vmem>>, %arg2: memref<2560x256xf32, #tpu.memory_space<vmem>>, %arg3: memref<128x256xf32, #tpu.memory_space<vmem>>, %arg4: memref<256x256xf32, #tpu.memory_space<vmem>>, %arg5: memref<1x256xf32, #tpu.memory_space<vmem>>, %arg6: memref<2560x256xbf16, #tpu.memory_space<vmem>>, %arg7: memref<2x256xf32, #tpu.memory_space<vmem>>) attributes {dimension_semantics = [#tpu.dimension_semantics<arbitrary>], iteration_bounds = array<i64: 125>, scalar_prefetch = 0 : i64, scratch_operands = 0 : i64, tpu.core_type = #tpu.core_type<tc>, window_params = [{transform_indices = @transform_0, window_bounds = array<i64: 2560, 128>}, {transform_indices = @transform_1, window_bounds = array<i64: 2560, 256>}, {pipeline_mode = #tpu.pipeline_mode<synchronous>, transform_indices = @transform_2, window_bounds = array<i64: 128, 256>}, {pipeline_mode = #tpu.pipeline_mode<synchronous>, transform_indices = @transform_3, window_bounds = array<i64: 256, 256>}, {pipeline_mode = #tpu.pipeline_mode<synchronous>, transform_indices = @transform_4, window_bounds = array<i64: 1, 256>}, {transform_indices = @transform_5, window_bounds = array<i64: 2560, 256>}, {pipeline_mode = #tpu.pipeline_mode<synchronous>, transform_indices = @transform_6, window_bounds = array<i64: 2, 256>}]} {
    %get3A = arith.constant 0 : index
    %get3A_0 = arith.constant 0 : index
    %get3A_1 = vector.load %arg1[%get3A, %get3A_0] : memref<2560x128xf32, #tpu.memory_space<vmem>>, vector<2560x128xf32>
    %convert_element_type3A = arith.truncf %get3A_1 : vector<2560x128xf32> to vector<2560x128xbf16>
    %get3A_2 = arith.constant 0 : index
    %get3A_3 = arith.constant 0 : index
    %get3A_4 = vector.load %arg3[%get3A_2, %get3A_3] : memref<128x256xf32, #tpu.memory_space<vmem>>, vector<128x256xf32>
    %convert_element_type3A_5 = arith.truncf %get3A_4 : vector<128x256xf32> to vector<128x256xbf16>
    %dot_general3A = arith.constant dense<0.000000e+00> : vector<2560x256xf32>
    %dot_general3A_6 = tpu.matmul %convert_element_type3A, %convert_element_type3A_5, %dot_general3A {dimension_numbers = #tpu.dot_dimension_numbers<[1], [0], [0], [1], [0, 0, 1, 1], [], []>, transpose_lhs_hint = false} : vector<2560x128xbf16>, vector<128x256xbf16>, vector<2560x256xf32> -> vector<2560x256xf32>
    %get3A_7 = arith.constant 0 : index
    %get3A_8 = arith.constant 0 : index
    %get3A_9 = vector.load %arg2[%get3A_7, %get3A_8] : memref<2560x256xf32, #tpu.memory_space<vmem>>, vector<2560x256xf32>
    %convert_element_type3A_10 = arith.truncf %get3A_9 : vector<2560x256xf32> to vector<2560x256xbf16>
    %get3A_11 = arith.constant 0 : index
    %get3A_12 = arith.constant 0 : index
    %get3A_13 = vector.load %arg4[%get3A_11, %get3A_12] : memref<256x256xf32, #tpu.memory_space<vmem>>, vector<256x256xf32>
    %convert_element_type3A_14 = arith.truncf %get3A_13 : vector<256x256xf32> to vector<256x256xbf16>
    %dot_general3A_15 = arith.constant dense<0.000000e+00> : vector<2560x256xf32>
    %dot_general3A_16 = tpu.matmul %convert_element_type3A_10, %convert_element_type3A_14, %dot_general3A_15 {dimension_numbers = #tpu.dot_dimension_numbers<[1], [0], [0], [1], [0, 0, 1, 1], [], []>, transpose_lhs_hint = false} : vector<2560x256xbf16>, vector<256x256xbf16>, vector<2560x256xf32> -> vector<2560x256xf32>
    %add3A = arith.addf %dot_general3A_6, %dot_general3A_16 : vector<2560x256xf32>
    %get3A_17 = arith.constant 0 : index
    %get3A_18 = arith.constant 0 : index
    %get3A_19 = vector.load %arg5[%get3A_17, %get3A_18] : memref<1x256xf32, #tpu.memory_space<vmem>>, vector<1x256xf32>
    %add3A_20 = vector.broadcast %get3A_19 : vector<1x256xf32> to vector<2560x256xf32>
    %add3A_21 = arith.addf %add3A, %add3A_20 : vector<2560x256xf32>
    %convert_element_type3A_22 = arith.truncf %add3A_21 : vector<2560x256xf32> to vector<2560x256xbf16>
    %swap3A = arith.constant 0 : index
    %swap3A_23 = arith.constant 0 : index
    %swap3A_24 = vector.load %arg6[%swap3A, %swap3A_23] : memref<2560x256xbf16, #tpu.memory_space<vmem>>, vector<2560x256xbf16>
    tpu.vector_store %arg6[%swap3A, %swap3A_23], %convert_element_type3A_22 {strides = array<i32>} : memref<2560x256xbf16, #tpu.memory_space<vmem>>, vector<2560x256xbf16>,
    %reduce_sum3A = arith.constant dense<0.000000e+00> : vector<256xf32>
    %reduce_sum3A_25 = vector.multi_reduction <add>, %add3A_21, %reduce_sum3A [0] : vector<2560x256xf32> to vector<256xf32>
    %broadcast_in_dim3A = vector.shape_cast %reduce_sum3A_25 : vector<256xf32> to vector<1x256xf32>
    %mul3A = arith.mulf %add3A_21, %add3A_21 : vector<2560x256xf32>
    %reduce_sum3A_26 = arith.constant dense<0.000000e+00> : vector<256xf32>
    %reduce_sum3A_27 = vector.multi_reduction <add>, %mul3A, %reduce_sum3A_26 [0] : vector<2560x256xf32> to vector<256xf32>
    %broadcast_in_dim3A_28 = vector.shape_cast %reduce_sum3A_27 : vector<256xf32> to vector<1x256xf32>
    %concatenate3A = tpu.concatenate %broadcast_in_dim3A, %broadcast_in_dim3A_28 in 0 : vector<1x256xf32>, vector<1x256xf32> -> vector<2x256xf32>
    %eq3A = arith.constant 0 : i32
    %eq3A_29 = arith.cmpi eq, %arg0, %eq3A : i32
    %convert_element_type3A_30 = arith.extui %eq3A_29 : i1 to i32
    %cond3A = arith.constant 0 : i32
    %cond3A_31 = arith.cmpi ne, %convert_element_type3A_30, %cond3A : i32
    scf.if %cond3A_31 {
      %swap3A_36 = arith.constant 0 : index
      %swap3A_37 = arith.constant 0 : index
      %swap3A_38 = vector.load %arg7[%swap3A_36, %swap3A_37] : memref<2x256xf32, #tpu.memory_space<vmem>>, vector<2x256xf32>
      tpu.vector_store %arg7[%swap3A_36, %swap3A_37], %concatenate3A {strides = array<i32>} : memref<2x256xf32, #tpu.memory_space<vmem>>, vector<2x256xf32>,
    } else {
    }
    %gt3A = arith.constant 0 : i32
    %gt3A_32 = arith.cmpi sgt, %arg0, %gt3A : i32
    %convert_element_type3A_33 = arith.extui %gt3A_32 : i1 to i32
    %cond3A_34 = arith.constant 0 : i32
    %cond3A_35 = arith.cmpi ne, %convert_element_type3A_33, %cond3A_34 : i32
    scf.if %cond3A_35 {
      %get3A_36 = arith.constant 0 : index
      %get3A_37 = arith.constant 0 : index
      %get3A_38 = vector.load %arg7[%get3A_36, %get3A_37] : memref<2x256xf32, #tpu.memory_space<vmem>>, vector<2x256xf32>
      %add3A_39 = arith.addf %get3A_38, %concatenate3A : vector<2x256xf32>
      %swap3A_40 = arith.constant 0 : index
      %swap3A_41 = arith.constant 0 : index
      %swap3A_42 = vector.load %arg7[%swap3A_40, %swap3A_41] : memref<2x256xf32, #tpu.memory_space<vmem>>, vector<2x256xf32>
      tpu.vector_store %arg7[%swap3A_40, %swap3A_41], %add3A_39 {strides = array<i32>} : memref<2x256xf32, #tpu.memory_space<vmem>>, vector<2x256xf32>,
    } else {
    }
    return
  }
  func.func @transform_0(%arg0: i32) -> (i32, i32) {
    %c0_i32 = arith.constant 0 : i32
    %c0_i32_0 = arith.constant 0 : i32
    return %arg0, %c0_i32 : i32, i32
  }
  func.func @transform_1(%arg0: i32) -> (i32, i32) {
    %c0_i32 = arith.constant 0 : i32
    %c0_i32_0 = arith.constant 0 : i32
    return %arg0, %c0_i32 : i32, i32
  }
  func.func @transform_2(%arg0: i32) -> (i32, i32) {
    %c0_i32 = arith.constant 0 : i32
    %c0_i32_0 = arith.constant 0 : i32
    %c0_i32_1 = arith.constant 0 : i32
    return %c0_i32, %c0_i32_0 : i32, i32
  }
  func.func @transform_3(%arg0: i32) -> (i32, i32) {
    %c0_i32 = arith.constant 0 : i32
    %c0_i32_0 = arith.constant 0 : i32
    %c0_i32_1 = arith.constant 0 : i32
    return %c0_i32, %c0_i32_0 : i32, i32
  }
  func.func @transform_4(%arg0: i32) -> (i32, i32) {
    %c0_i32 = arith.constant 0 : i32
    %c0_i32_0 = arith.constant 0 : i32
    %c0_i32_1 = arith.constant 0 : i32
    return %c0_i32, %c0_i32_0 : i32, i32
  }
  func.func @transform_5(%arg0: i32) -> (i32, i32) {
    %c0_i32 = arith.constant 0 : i32
    %c0_i32_0 = arith.constant 0 : i32
    return %arg0, %c0_i32 : i32, i32
  }
  func.func @transform_6(%arg0: i32) -> (i32, i32) {
    %c0_i32 = arith.constant 0 : i32
    %c0_i32_0 = arith.constant 0 : i32
    %c0_i32_1 = arith.constant 0 : i32
    return %c0_i32, %c0_i32_0 : i32, i32
  }
}

module attributes {stable_mosaic.version = 14 : i64} {
  func.func @body(%arg0: i32, %arg1: memref<2560x256xbf16, #tpu.memory_space<vmem>>, %arg2: memref<2x256xf32, #tpu.memory_space<vmem>>, %arg3: memref<1x256xf32, #tpu.memory_space<vmem>>, %arg4: memref<1x256xf32, #tpu.memory_space<vmem>>, %arg5: memref<256x256xf32, #tpu.memory_space<vmem>>, %arg6: memref<1x256xf32, #tpu.memory_space<vmem>>, %arg7: memref<2560x128xf32, #tpu.memory_space<vmem>>, %arg8: memref<2560x128xf32, #tpu.memory_space<vmem>>, %arg9: memref<2x256xf32, #tpu.memory_space<vmem>>) attributes {dimension_semantics = [#tpu.dimension_semantics<arbitrary>], iteration_bounds = array<i64: 125>, scalar_prefetch = 0 : i64, scratch_operands = 0 : i64, tpu.core_type = #tpu.core_type<tc>, window_params = [{transform_indices = @transform_0, window_bounds = array<i64: 2560, 256>}, {pipeline_mode = #tpu.pipeline_mode<synchronous>, transform_indices = @transform_1, window_bounds = array<i64: 2, 256>}, {pipeline_mode = #tpu.pipeline_mode<synchronous>, transform_indices = @transform_2, window_bounds = array<i64: 1, 256>}, {pipeline_mode = #tpu.pipeline_mode<synchronous>, transform_indices = @transform_3, window_bounds = array<i64: 1, 256>}, {pipeline_mode = #tpu.pipeline_mode<synchronous>, transform_indices = @transform_4, window_bounds = array<i64: 256, 256>}, {pipeline_mode = #tpu.pipeline_mode<synchronous>, transform_indices = @transform_5, window_bounds = array<i64: 1, 256>}, {transform_indices = @transform_6, window_bounds = array<i64: 2560, 128>}, {transform_indices = @transform_7, window_bounds = array<i64: 2560, 128>}, {pipeline_mode = #tpu.pipeline_mode<synchronous>, transform_indices = @transform_8, window_bounds = array<i64: 2, 256>}]} {
    %get3A = arith.constant 0 : index
    %get3A_0 = arith.constant 0 : index
    %get3A_1 = vector.load %arg2[%get3A, %get3A_0] : memref<2x256xf32, #tpu.memory_space<vmem>>, vector<1x256xf32>
    %mul3A = arith.constant 3.125000e-06 : f32
    %mul3A_2 = vector.broadcast %mul3A : f32 to vector<1x256xf32>
    %mul3A_3 = arith.mulf %get3A_1, %mul3A_2 : vector<1x256xf32>
    %get3A_4 = arith.constant 1 : index
    %get3A_5 = arith.constant 0 : index
    %get3A_6 = vector.load %arg2[%get3A_4, %get3A_5] : memref<2x256xf32, #tpu.memory_space<vmem>>, vector<1x256xf32>
    %mul3A_7 = arith.constant 3.125000e-06 : f32
    %mul3A_8 = vector.broadcast %mul3A_7 : f32 to vector<1x256xf32>
    %mul3A_9 = arith.mulf %get3A_6, %mul3A_8 : vector<1x256xf32>
    %mul3A_10 = arith.mulf %mul3A_3, %mul3A_3 : vector<1x256xf32>
    %sub3A = arith.subf %mul3A_9, %mul3A_10 : vector<1x256xf32>
    %get3A_11 = arith.constant 0 : index
    %get3A_12 = arith.constant 0 : index
    %get3A_13 = vector.load %arg3[%get3A_11, %get3A_12] : memref<1x256xf32, #tpu.memory_space<vmem>>, vector<1x256xf32>
    %add3A = arith.constant 9.99999974E-6 : f32
    %add3A_14 = vector.broadcast %add3A : f32 to vector<1x256xf32>
    %add3A_15 = arith.addf %sub3A, %add3A_14 : vector<1x256xf32>
    %rsqrt3A = math.rsqrt %add3A_15 : vector<1x256xf32>
    %mul3A_16 = arith.mulf %get3A_13, %rsqrt3A : vector<1x256xf32>
    %get3A_17 = arith.constant 0 : index
    %get3A_18 = arith.constant 0 : index
    %get3A_19 = vector.load %arg4[%get3A_17, %get3A_18] : memref<1x256xf32, #tpu.memory_space<vmem>>, vector<1x256xf32>
    %mul3A_20 = arith.mulf %mul3A_3, %mul3A_16 : vector<1x256xf32>
    %sub3A_21 = arith.subf %get3A_19, %mul3A_20 : vector<1x256xf32>
    %get3A_22 = arith.constant 0 : index
    %get3A_23 = arith.constant 0 : index
    %get3A_24 = vector.load %arg1[%get3A_22, %get3A_23] : memref<2560x256xbf16, #tpu.memory_space<vmem>>, vector<2560x256xbf16>
    %convert_element_type3A = arith.extf %get3A_24 : vector<2560x256xbf16> to vector<2560x256xf32>
    %mul3A_25 = vector.broadcast %mul3A_16 : vector<1x256xf32> to vector<2560x256xf32>
    %mul3A_26 = arith.mulf %convert_element_type3A, %mul3A_25 : vector<2560x256xf32>
    %add3A_27 = vector.broadcast %sub3A_21 : vector<1x256xf32> to vector<2560x256xf32>
    %add3A_28 = arith.addf %mul3A_26, %add3A_27 : vector<2560x256xf32>
    %max3A = arith.constant 0.000000e+00 : f32
    %max3A_29 = vector.broadcast %max3A : f32 to vector<2560x256xf32>
    %max3A_30 = arith.maximumf %add3A_28, %max3A_29 : vector<2560x256xf32>
    %convert_element_type3A_31 = arith.truncf %max3A_30 : vector<2560x256xf32> to vector<2560x256xbf16>
    %get3A_32 = arith.constant 0 : index
    %get3A_33 = arith.constant 0 : index
    %get3A_34 = vector.load %arg5[%get3A_32, %get3A_33] : memref<256x256xf32, #tpu.memory_space<vmem>>, vector<256x256xf32>
    %convert_element_type3A_35 = arith.truncf %get3A_34 : vector<256x256xf32> to vector<256x256xbf16>
    %dot_general3A = arith.constant dense<0.000000e+00> : vector<2560x256xf32>
    %dot_general3A_36 = tpu.matmul %convert_element_type3A_31, %convert_element_type3A_35, %dot_general3A {dimension_numbers = #tpu.dot_dimension_numbers<[1], [0], [0], [1], [0, 0, 1, 1], [], []>, transpose_lhs_hint = false} : vector<2560x256xbf16>, vector<256x256xbf16>, vector<2560x256xf32> -> vector<2560x256xf32>
    %get3A_37 = arith.constant 0 : index
    %get3A_38 = arith.constant 0 : index
    %get3A_39 = vector.load %arg6[%get3A_37, %get3A_38] : memref<1x256xf32, #tpu.memory_space<vmem>>, vector<1x256xf32>
    %add3A_40 = vector.broadcast %get3A_39 : vector<1x256xf32> to vector<2560x256xf32>
    %add3A_41 = arith.addf %dot_general3A_36, %add3A_40 : vector<2560x256xf32>
    %slice3A = vector.extract_strided_slice %add3A_41 {offsets = [0, 0], sizes = [2560, 128], strides = [1, 1]} : vector<2560x256xf32> to vector<2560x128xf32>
    %swap3A = arith.constant 0 : index
    %swap3A_42 = arith.constant 0 : index
    %swap3A_43 = vector.load %arg7[%swap3A, %swap3A_42] : memref<2560x128xf32, #tpu.memory_space<vmem>>, vector<2560x128xf32>
    tpu.vector_store %arg7[%swap3A, %swap3A_42], %slice3A {strides = array<i32>} : memref<2560x128xf32, #tpu.memory_space<vmem>>, vector<2560x128xf32>,
    %slice3A_44 = vector.extract_strided_slice %add3A_41 {offsets = [0, 128], sizes = [2560, 128], strides = [1, 1]} : vector<2560x256xf32> to vector<2560x128xf32>
    %swap3A_45 = arith.constant 0 : index
    %swap3A_46 = arith.constant 0 : index
    %swap3A_47 = vector.load %arg8[%swap3A_45, %swap3A_46] : memref<2560x128xf32, #tpu.memory_space<vmem>>, vector<2560x128xf32>
    tpu.vector_store %arg8[%swap3A_45, %swap3A_46], %slice3A_44 {strides = array<i32>} : memref<2560x128xf32, #tpu.memory_space<vmem>>, vector<2560x128xf32>,
    %reduce_sum3A = arith.constant dense<0.000000e+00> : vector<256xf32>
    %reduce_sum3A_48 = vector.multi_reduction <add>, %add3A_41, %reduce_sum3A [0] : vector<2560x256xf32> to vector<256xf32>
    %broadcast_in_dim3A = vector.shape_cast %reduce_sum3A_48 : vector<256xf32> to vector<1x256xf32>
    %mul3A_49 = arith.mulf %add3A_41, %add3A_41 : vector<2560x256xf32>
    %reduce_sum3A_50 = arith.constant dense<0.000000e+00> : vector<256xf32>
    %reduce_sum3A_51 = vector.multi_reduction <add>, %mul3A_49, %reduce_sum3A_50 [0] : vector<2560x256xf32> to vector<256xf32>
    %broadcast_in_dim3A_52 = vector.shape_cast %reduce_sum3A_51 : vector<256xf32> to vector<1x256xf32>
    %concatenate3A = tpu.concatenate %broadcast_in_dim3A, %broadcast_in_dim3A_52 in 0 : vector<1x256xf32>, vector<1x256xf32> -> vector<2x256xf32>
    %eq3A = arith.constant 0 : i32
    %eq3A_53 = arith.cmpi eq, %arg0, %eq3A : i32
    %convert_element_type3A_54 = arith.extui %eq3A_53 : i1 to i32
    %cond3A = arith.constant 0 : i32
    %cond3A_55 = arith.cmpi ne, %convert_element_type3A_54, %cond3A : i32
    scf.if %cond3A_55 {
      %swap3A_60 = arith.constant 0 : index
      %swap3A_61 = arith.constant 0 : index
      %swap3A_62 = vector.load %arg9[%swap3A_60, %swap3A_61] : memref<2x256xf32, #tpu.memory_space<vmem>>, vector<2x256xf32>
      tpu.vector_store %arg9[%swap3A_60, %swap3A_61], %concatenate3A {strides = array<i32>} : memref<2x256xf32, #tpu.memory_space<vmem>>, vector<2x256xf32>,
    } else {
    }
    %gt3A = arith.constant 0 : i32
    %gt3A_56 = arith.cmpi sgt, %arg0, %gt3A : i32
    %convert_element_type3A_57 = arith.extui %gt3A_56 : i1 to i32
    %cond3A_58 = arith.constant 0 : i32
    %cond3A_59 = arith.cmpi ne, %convert_element_type3A_57, %cond3A_58 : i32
    scf.if %cond3A_59 {
      %get3A_60 = arith.constant 0 : index
      %get3A_61 = arith.constant 0 : index
      %get3A_62 = vector.load %arg9[%get3A_60, %get3A_61] : memref<2x256xf32, #tpu.memory_space<vmem>>, vector<2x256xf32>
      %add3A_63 = arith.addf %get3A_62, %concatenate3A : vector<2x256xf32>
      %swap3A_64 = arith.constant 0 : index
      %swap3A_65 = arith.constant 0 : index
      %swap3A_66 = vector.load %arg9[%swap3A_64, %swap3A_65] : memref<2x256xf32, #tpu.memory_space<vmem>>, vector<2x256xf32>
      tpu.vector_store %arg9[%swap3A_64, %swap3A_65], %add3A_63 {strides = array<i32>} : memref<2x256xf32, #tpu.memory_space<vmem>>, vector<2x256xf32>,
    } else {
    }
    return
  }
  func.func @transform_0(%arg0: i32) -> (i32, i32) {
    %c0_i32 = arith.constant 0 : i32
    %c0_i32_0 = arith.constant 0 : i32
    return %arg0, %c0_i32 : i32, i32
  }
  func.func @transform_1(%arg0: i32) -> (i32, i32) {
    %c0_i32 = arith.constant 0 : i32
    %c0_i32_0 = arith.constant 0 : i32
    %c0_i32_1 = arith.constant 0 : i32
    return %c0_i32, %c0_i32_0 : i32, i32
  }
  func.func @transform_2(%arg0: i32) -> (i32, i32) {
    %c0_i32 = arith.constant 0 : i32
    %c0_i32_0 = arith.constant 0 : i32
    %c0_i32_1 = arith.constant 0 : i32
    return %c0_i32, %c0_i32_0 : i32, i32
  }
  func.func @transform_3(%arg0: i32) -> (i32, i32) {
    %c0_i32 = arith.constant 0 : i32
    %c0_i32_0 = arith.constant 0 : i32
    %c0_i32_1 = arith.constant 0 : i32
    return %c0_i32, %c0_i32_0 : i32, i32
  }
  func.func @transform_4(%arg0: i32) -> (i32, i32) {
    %c0_i32 = arith.constant 0 : i32
    %c0_i32_0 = arith.constant 0 : i32
    %c0_i32_1 = arith.constant 0 : i32
    return %c0_i32, %c0_i32_0 : i32, i32
  }
  func.func @transform_5(%arg0: i32) -> (i32, i32) {
    %c0_i32 = arith.constant 0 : i32
    %c0_i32_0 = arith.constant 0 : i32
    %c0_i32_1 = arith.constant 0 : i32
    return %c0_i32, %c0_i32_0 : i32, i32
  }
  func.func @transform_6(%arg0: i32) -> (i32, i32) {
    %c0_i32 = arith.constant 0 : i32
    %c0_i32_0 = arith.constant 0 : i32
    return %arg0, %c0_i32 : i32, i32
  }
  func.func @transform_7(%arg0: i32) -> (i32, i32) {
    %c0_i32 = arith.constant 0 : i32
    %c0_i32_0 = arith.constant 0 : i32
    return %arg0, %c0_i32 : i32, i32
  }
  func.func @transform_8(%arg0: i32) -> (i32, i32) {
    %c0_i32 = arith.constant 0 : i32
    %c0_i32_0 = arith.constant 0 : i32
    %c0_i32_1 = arith.constant 0 : i32
    return %c0_i32, %c0_i32_0 : i32, i32
  }
}

module attributes {stable_mosaic.version = 14 : i64} {
  func.func @body(%arg0: memref<10000x128xf32, #tpu.memory_space<vmem>>, %arg1: memref<10240x128xf32, #tpu.memory_space<vmem>>, %arg2: memref<10240x128xf32, #tpu.memory_space<vmem>>, %arg3: memref<10240x128xf32, #tpu.memory_space<vmem>>, %arg4: memref<10240x128xf32, #tpu.memory_space<vmem>>, %arg5: memref<2x256xf32, #tpu.memory_space<vmem>>, %arg6: memref<1x256xf32, #tpu.memory_space<vmem>>, %arg7: memref<1x256xf32, #tpu.memory_space<vmem>>, %arg8: memref<128x256xf32, #tpu.memory_space<vmem>>, %arg9: memref<256x256xf32, #tpu.memory_space<vmem>>, %arg10: memref<1x256xf32, #tpu.memory_space<vmem>>, %arg11: memref<1x256xf32, #tpu.memory_space<vmem>>, %arg12: memref<1x256xf32, #tpu.memory_space<vmem>>, %arg13: memref<256x256xf32, #tpu.memory_space<vmem>>, %arg14: memref<1x256xf32, #tpu.memory_space<vmem>>, %arg15: memref<1x256xf32, #tpu.memory_space<vmem>>, %arg16: memref<1x256xf32, #tpu.memory_space<vmem>>, %arg17: memref<10000x256xf32, #tpu.memory_space<vmem>>) attributes {dimension_semantics = [], scalar_prefetch = 0 : i64, scratch_operands = 0 : i64, tpu.core_type = #tpu.core_type<tc>} {
    %get3A = arith.constant 0 : index
    %get3A_0 = arith.constant 0 : index
    %get3A_1 = vector.load %arg5[%get3A, %get3A_0] : memref<2x256xf32, #tpu.memory_space<vmem>>, vector<1x256xf32>
    %mul3A = arith.constant 3.125000e-06 : f32
    %mul3A_2 = vector.broadcast %mul3A : f32 to vector<1x256xf32>
    %mul3A_3 = arith.mulf %get3A_1, %mul3A_2 : vector<1x256xf32>
    %get3A_4 = arith.constant 1 : index
    %get3A_5 = arith.constant 0 : index
    %get3A_6 = vector.load %arg5[%get3A_4, %get3A_5] : memref<2x256xf32, #tpu.memory_space<vmem>>, vector<1x256xf32>
    %mul3A_7 = arith.constant 3.125000e-06 : f32
    %mul3A_8 = vector.broadcast %mul3A_7 : f32 to vector<1x256xf32>
    %mul3A_9 = arith.mulf %get3A_6, %mul3A_8 : vector<1x256xf32>
    %mul3A_10 = arith.mulf %mul3A_3, %mul3A_3 : vector<1x256xf32>
    %sub3A = arith.subf %mul3A_9, %mul3A_10 : vector<1x256xf32>
    %get3A_11 = arith.constant 0 : index
    %get3A_12 = arith.constant 0 : index
    %get3A_13 = vector.load %arg6[%get3A_11, %get3A_12] : memref<1x256xf32, #tpu.memory_space<vmem>>, vector<1x256xf32>
    %add3A = arith.constant 9.99999974E-6 : f32
    %add3A_14 = vector.broadcast %add3A : f32 to vector<1x256xf32>
    %add3A_15 = arith.addf %sub3A, %add3A_14 : vector<1x256xf32>
    %rsqrt3A = math.rsqrt %add3A_15 : vector<1x256xf32>
    %mul3A_16 = arith.mulf %get3A_13, %rsqrt3A : vector<1x256xf32>
    %get3A_17 = arith.constant 0 : index
    %get3A_18 = arith.constant 0 : index
    %get3A_19 = vector.load %arg7[%get3A_17, %get3A_18] : memref<1x256xf32, #tpu.memory_space<vmem>>, vector<1x256xf32>
    %mul3A_20 = arith.mulf %mul3A_3, %mul3A_16 : vector<1x256xf32>
    %sub3A_21 = arith.subf %get3A_19, %mul3A_20 : vector<1x256xf32>
    %get3A_22 = arith.constant 0 : index
    %get3A_23 = arith.constant 0 : index
    %get3A_24 = vector.load %arg3[%get3A_22, %get3A_23] : memref<10240x128xf32, #tpu.memory_space<vmem>>, vector<10000x1xf32>
    %get3A_25 = arith.constant 0 : index
    %get3A_26 = arith.constant 0 : index
    %get3A_27 = vector.load %arg4[%get3A_25, %get3A_26] : memref<10240x128xf32, #tpu.memory_space<vmem>>, vector<10000x1xf32>
    %add3A_28 = arith.addf %get3A_24, %get3A_27 : vector<10000x1xf32>
    %max3A = arith.constant 1.000000e+00 : f32
    %max3A_29 = vector.broadcast %max3A : f32 to vector<10000x1xf32>
    %max3A_30 = arith.maximumf %add3A_28, %max3A_29 : vector<10000x1xf32>
    %get3A_31 = arith.constant 0 : index
    %get3A_32 = arith.constant 0 : index
    %get3A_33 = vector.load %arg1[%get3A_31, %get3A_32] : memref<10240x128xf32, #tpu.memory_space<vmem>>, vector<10000x128xf32>
    %get3A_34 = arith.constant 0 : index
    %get3A_35 = arith.constant 0 : index
    %get3A_36 = vector.load %arg2[%get3A_34, %get3A_35] : memref<10240x128xf32, #tpu.memory_space<vmem>>, vector<10000x128xf32>
    %concatenate3A = tpu.concatenate %get3A_33, %get3A_36 in 1 : vector<10000x128xf32>, vector<10000x128xf32> -> vector<10000x256xf32>
    %div3A = vector.broadcast %max3A_30 : vector<10000x1xf32> to vector<10000x256xf32>
    %div3A_37 = arith.divf %concatenate3A, %div3A : vector<10000x256xf32>
    %mul3A_38 = vector.broadcast %mul3A_16 : vector<1x256xf32> to vector<10000x256xf32>
    %mul3A_39 = arith.mulf %div3A_37, %mul3A_38 : vector<10000x256xf32>
    %add3A_40 = vector.broadcast %sub3A_21 : vector<1x256xf32> to vector<10000x256xf32>
    %add3A_41 = arith.addf %mul3A_39, %add3A_40 : vector<10000x256xf32>
    %gt3A = arith.constant 0.000000e+00 : f32
    %gt3A_42 = vector.broadcast %gt3A : f32 to vector<10000x1xf32>
    %gt3A_43 = arith.cmpf ogt, %add3A_28, %gt3A_42 : vector<10000x1xf32>
    %jit3A = arith.constant 0.000000e+00 : f32
    %broadcast_in_dim3A = vector.shape_cast %gt3A_43 : vector<10000x1xi1> to vector<10000x1xi1>
    %broadcast_in_dim3A_44 = vector.broadcast %broadcast_in_dim3A : vector<10000x1xi1> to vector<10000x256xi1>
    %broadcast_in_dim3A_45 = vector.broadcast %jit3A : f32 to vector<10000x256xf32>
    %select_n3A = arith.select %broadcast_in_dim3A_44, %add3A_41, %broadcast_in_dim3A_45 : vector<10000x256xi1>, vector<10000x256xf32>
    %get3A_46 = arith.constant 0 : index
    %get3A_47 = arith.constant 0 : index
    %get3A_48 = vector.load %arg0[%get3A_46, %get3A_47] : memref<10000x128xf32, #tpu.memory_space<vmem>>, vector<10000x128xf32>
    %get3A_49 = arith.constant 0 : index
    %get3A_50 = arith.constant 0 : index
    %get3A_51 = vector.load %arg8[%get3A_49, %get3A_50] : memref<128x256xf32, #tpu.memory_space<vmem>>, vector<128x256xf32>
    %dot_general3A = arith.constant dense<0.000000e+00> : vector<10000x256xf32>
    %dot_general3A_52 = tpu.matmul %get3A_48, %get3A_51, %dot_general3A {dimension_numbers = #tpu.dot_dimension_numbers<[1], [0], [0], [1], [0, 0, 1, 1], [], []>, transpose_lhs_hint = false} : vector<10000x128xf32>, vector<128x256xf32>, vector<10000x256xf32> -> vector<10000x256xf32>
    %get3A_53 = arith.constant 0 : index
    %get3A_54 = arith.constant 0 : index
    %get3A_55 = vector.load %arg9[%get3A_53, %get3A_54] : memref<256x256xf32, #tpu.memory_space<vmem>>, vector<256x256xf32>
    %dot_general3A_56 = arith.constant dense<0.000000e+00> : vector<10000x256xf32>
    %dot_general3A_57 = tpu.matmul %select_n3A, %get3A_55, %dot_general3A_56 {dimension_numbers = #tpu.dot_dimension_numbers<[1], [0], [0], [1], [0, 0, 1, 1], [], []>, transpose_lhs_hint = false} : vector<10000x256xf32>, vector<256x256xf32>, vector<10000x256xf32> -> vector<10000x256xf32>
    %add3A_58 = arith.addf %dot_general3A_52, %dot_general3A_57 : vector<10000x256xf32>
    %get3A_59 = arith.constant 0 : index
    %get3A_60 = arith.constant 0 : index
    %get3A_61 = vector.load %arg10[%get3A_59, %get3A_60] : memref<1x256xf32, #tpu.memory_space<vmem>>, vector<1x256xf32>
    %add3A_62 = vector.broadcast %get3A_61 : vector<1x256xf32> to vector<10000x256xf32>
    %add3A_63 = arith.addf %add3A_58, %add3A_62 : vector<10000x256xf32>
    %reduce_sum3A = arith.constant dense<0.000000e+00> : vector<256xf32>
    %reduce_sum3A_64 = vector.multi_reduction <add>, %add3A_63, %reduce_sum3A [0] : vector<10000x256xf32> to vector<256xf32>
    %broadcast_in_dim3A_65 = vector.shape_cast %reduce_sum3A_64 : vector<256xf32> to vector<1x256xf32>
    %div3A_66 = arith.constant 1.000000e+04 : f32
    %div3A_67 = vector.broadcast %div3A_66 : f32 to vector<1x256xf32>
    %div3A_68 = arith.divf %broadcast_in_dim3A_65, %div3A_67 : vector<1x256xf32>
    %sub3A_69 = vector.broadcast %div3A_68 : vector<1x256xf32> to vector<10000x256xf32>
    %sub3A_70 = arith.subf %add3A_63, %sub3A_69 : vector<10000x256xf32>
    %sub3A_71 = vector.broadcast %div3A_68 : vector<1x256xf32> to vector<10000x256xf32>
    %sub3A_72 = arith.subf %add3A_63, %sub3A_71 : vector<10000x256xf32>
    %mul3A_73 = arith.mulf %sub3A_70, %sub3A_72 : vector<10000x256xf32>
    %reduce_sum3A_74 = arith.constant dense<0.000000e+00> : vector<256xf32>
    %reduce_sum3A_75 = vector.multi_reduction <add>, %mul3A_73, %reduce_sum3A_74 [0] : vector<10000x256xf32> to vector<256xf32>
    %broadcast_in_dim3A_76 = vector.shape_cast %reduce_sum3A_75 : vector<256xf32> to vector<1x256xf32>
    %div3A_77 = arith.constant 1.000000e+04 : f32
    %div3A_78 = vector.broadcast %div3A_77 : f32 to vector<1x256xf32>
    %div3A_79 = arith.divf %broadcast_in_dim3A_76, %div3A_78 : vector<1x256xf32>
    %get3A_80 = arith.constant 0 : index
    %get3A_81 = arith.constant 0 : index
    %get3A_82 = vector.load %arg11[%get3A_80, %get3A_81] : memref<1x256xf32, #tpu.memory_space<vmem>>, vector<1x256xf32>
    %sub3A_83 = vector.broadcast %div3A_68 : vector<1x256xf32> to vector<10000x256xf32>
    %sub3A_84 = arith.subf %add3A_63, %sub3A_83 : vector<10000x256xf32>
    %mul3A_85 = vector.broadcast %get3A_82 : vector<1x256xf32> to vector<10000x256xf32>
    %mul3A_86 = arith.mulf %mul3A_85, %sub3A_84 : vector<10000x256xf32>
    %add3A_87 = arith.constant 9.99999974E-6 : f32
    %add3A_88 = vector.broadcast %add3A_87 : f32 to vector<1x256xf32>
    %add3A_89 = arith.addf %div3A_79, %add3A_88 : vector<1x256xf32>
    %rsqrt3A_90 = math.rsqrt %add3A_89 : vector<1x256xf32>
    %mul3A_91 = vector.broadcast %rsqrt3A_90 : vector<1x256xf32> to vector<10000x256xf32>
    %mul3A_92 = arith.mulf %mul3A_86, %mul3A_91 : vector<10000x256xf32>
    %get3A_93 = arith.constant 0 : index
    %get3A_94 = arith.constant 0 : index
    %get3A_95 = vector.load %arg12[%get3A_93, %get3A_94] : memref<1x256xf32, #tpu.memory_space<vmem>>, vector<1x256xf32>
    %add3A_96 = vector.broadcast %get3A_95 : vector<1x256xf32> to vector<10000x256xf32>
    %add3A_97 = arith.addf %mul3A_92, %add3A_96 : vector<10000x256xf32>
    %max3A_98 = arith.constant 0.000000e+00 : f32
    %max3A_99 = vector.broadcast %max3A_98 : f32 to vector<10000x256xf32>
    %max3A_100 = arith.maximumf %add3A_97, %max3A_99 : vector<10000x256xf32>
    %get3A_101 = arith.constant 0 : index
    %get3A_102 = arith.constant 0 : index
    %get3A_103 = vector.load %arg13[%get3A_101, %get3A_102] : memref<256x256xf32, #tpu.memory_space<vmem>>, vector<256x256xf32>
    %dot_general3A_104 = arith.constant dense<0.000000e+00> : vector<10000x256xf32>
    %dot_general3A_105 = tpu.matmul %max3A_100, %get3A_103, %dot_general3A_104 {dimension_numbers = #tpu.dot_dimension_numbers<[1], [0], [0], [1], [0, 0, 1, 1], [], []>, transpose_lhs_hint = false} : vector<10000x256xf32>, vector<256x256xf32>, vector<10000x256xf32> -> vector<10000x256xf32>
    %get3A_106 = arith.constant 0 : index
    %get3A_107 = arith.constant 0 : index
    %get3A_108 = vector.load %arg14[%get3A_106, %get3A_107] : memref<1x256xf32, #tpu.memory_space<vmem>>, vector<1x256xf32>
    %add3A_109 = vector.broadcast %get3A_108 : vector<1x256xf32> to vector<10000x256xf32>
    %add3A_110 = arith.addf %dot_general3A_105, %add3A_109 : vector<10000x256xf32>
    %reduce_sum3A_111 = arith.constant dense<0.000000e+00> : vector<256xf32>
    %reduce_sum3A_112 = vector.multi_reduction <add>, %add3A_110, %reduce_sum3A_111 [0] : vector<10000x256xf32> to vector<256xf32>
    %broadcast_in_dim3A_113 = vector.shape_cast %reduce_sum3A_112 : vector<256xf32> to vector<1x256xf32>
    %div3A_114 = arith.constant 1.000000e+04 : f32
    %div3A_115 = vector.broadcast %div3A_114 : f32 to vector<1x256xf32>
    %div3A_116 = arith.divf %broadcast_in_dim3A_113, %div3A_115 : vector<1x256xf32>
    %sub3A_117 = vector.broadcast %div3A_116 : vector<1x256xf32> to vector<10000x256xf32>
    %sub3A_118 = arith.subf %add3A_110, %sub3A_117 : vector<10000x256xf32>
    %sub3A_119 = vector.broadcast %div3A_116 : vector<1x256xf32> to vector<10000x256xf32>
    %sub3A_120 = arith.subf %add3A_110, %sub3A_119 : vector<10000x256xf32>
    %mul3A_121 = arith.mulf %sub3A_118, %sub3A_120 : vector<10000x256xf32>
    %reduce_sum3A_122 = arith.constant dense<0.000000e+00> : vector<256xf32>
    %reduce_sum3A_123 = vector.multi_reduction <add>, %mul3A_121, %reduce_sum3A_122 [0] : vector<10000x256xf32> to vector<256xf32>
    %broadcast_in_dim3A_124 = vector.shape_cast %reduce_sum3A_123 : vector<256xf32> to vector<1x256xf32>
    %div3A_125 = arith.constant 1.000000e+04 : f32
    %div3A_126 = vector.broadcast %div3A_125 : f32 to vector<1x256xf32>
    %div3A_127 = arith.divf %broadcast_in_dim3A_124, %div3A_126 : vector<1x256xf32>
    %get3A_128 = arith.constant 0 : index
    %get3A_129 = arith.constant 0 : index
    %get3A_130 = vector.load %arg15[%get3A_128, %get3A_129] : memref<1x256xf32, #tpu.memory_space<vmem>>, vector<1x256xf32>
    %sub3A_131 = vector.broadcast %div3A_116 : vector<1x256xf32> to vector<10000x256xf32>
    %sub3A_132 = arith.subf %add3A_110, %sub3A_131 : vector<10000x256xf32>
    %mul3A_133 = vector.broadcast %get3A_130 : vector<1x256xf32> to vector<10000x256xf32>
    %mul3A_134 = arith.mulf %mul3A_133, %sub3A_132 : vector<10000x256xf32>
    %add3A_135 = arith.constant 9.99999974E-6 : f32
    %add3A_136 = vector.broadcast %add3A_135 : f32 to vector<1x256xf32>
    %add3A_137 = arith.addf %div3A_127, %add3A_136 : vector<1x256xf32>
    %rsqrt3A_138 = math.rsqrt %add3A_137 : vector<1x256xf32>
    %mul3A_139 = vector.broadcast %rsqrt3A_138 : vector<1x256xf32> to vector<10000x256xf32>
    %mul3A_140 = arith.mulf %mul3A_134, %mul3A_139 : vector<10000x256xf32>
    %get3A_141 = arith.constant 0 : index
    %get3A_142 = arith.constant 0 : index
    %get3A_143 = vector.load %arg16[%get3A_141, %get3A_142] : memref<1x256xf32, #tpu.memory_space<vmem>>, vector<1x256xf32>
    %add3A_144 = vector.broadcast %get3A_143 : vector<1x256xf32> to vector<10000x256xf32>
    %add3A_145 = arith.addf %mul3A_140, %add3A_144 : vector<10000x256xf32>
    %swap3A = arith.constant 0 : index
    %swap3A_146 = arith.constant 0 : index
    %swap3A_147 = vector.load %arg17[%swap3A, %swap3A_146] : memref<10000x256xf32, #tpu.memory_space<vmem>>, vector<10000x256xf32>
    tpu.vector_store %arg17[%swap3A, %swap3A_146], %add3A_145 {strides = array<i32>} : memref<10000x256xf32, #tpu.memory_space<vmem>>, vector<10000x256xf32>,
    return
  }
}

</mosaic_0001>

<sc_bundles>
// kernel: kernel.10.cloned.1.call-start
scs
__scs_entry_jumppad:
0x0: {  	(pc) =	sbr.rel $0x88, $3  }
0x1: {  	(tag) =	ssettag $0x0;
	lr =	simm.s32 $0x1  }
0x2: {  	[smem:$0x3F8E] =	sst lr;
	_ =	strace $0xD0000000  }
0x3: {  	_ = 	snop  }
0x4: {  	_ = 	snop  }
0x5: {  	_ = 	snop  }
0x6: {  	_ = 	snop  }
0x7: {  	_ = 	snop  }
__scs_overlays_trampoline_lowered:
0x8: {  	[smem:$0x3F9D] =	sst s0  }
0x9: {  	[smem:$0x3F9E] =	sst s1  }
0xa: {  	[smem:$0x3F9F] =	sst s2  }
0xb: {  	[smem:$0x3FA0] =	sst s3  }
0xc: {  	[smem:$0x3FA1] =	sst s4  }
0xd: {  	[smem:$0x3FA2] =	sst s5  }
0xe: {  	[smem:$0x3FA3] =	sst s6  }
0xf: {  	[smem:$0x3FA4] =	sst s7  }
0x10: {  	[smem:$0x3FA5] =	sst s8  }
0x11: {  	[smem:$0x3FA6] =	sst s9;
	s0 =	simm.s32 @!p0 $0x0  }
0x12: {  	s1 =	sld [smem:$0x3F8C];
	s0 =	simm.s32 @p0 $0x1  }
0x13: {  	[smem:$0x3FA7] =	sst s0;
	s0 =	simm.s32 @!p1 $0x0  }
0x14: {  	s2 =	sld [smem:$0x3F8B];
	s0 =	simm.s32 @p1 $0x1  }
0x15: {  	[smem:$0x3FA8] =	sst s0;
	s0 =	simm.s32 @!p2 $0x0  }
0x16: {  	s3 =	sld [smem:$0x3FDB];
	s0 =	simm.s32 @p2 $0x1  }
0x17: {  	s4 =	simm.s32 $0x1BF5;
	[smem:$0x3FAA] =	sst s0  }
0x18: {  	s0 =	sld [smem:$0x3F8D];
	_ =	swait.ge [sflag:s4], $0x0  }
0x19: {  	s7 =	sld [smem:$0x3F8E]  }
0x1a: {  	s8 =	sadd.s32 $0xFFFFE003, lr  }
0x1b: {  	s9 =	sadd.s32 $0xFFFFFEF7, lr;
	s5 =	simm.s32 $0xFFFFFFFF;
	p2 =	slt.u32 s8, $0xFFFFF086  }
0x1c: {  	p1 =	slt.u32 s9, $0xF7A;
	s5 =	simm.s32 @!p2 $0x0  }
0x1d: {  	s5 =	simm.s32 @p1 $0x1;
	p0 =	seq.s32 s7, s2  }
0x1e: {  	s7 =	smul.u32 @!p0 $0xF7A, s2;
	p2 =	seq.s32 @!p0 s5, $0x0  }
0x1f: {  	s9 =	smul.u32 $0xF7A, s1;
	s8 =	simm.s32 @!p0 $0x1BF5;
	p2 =	por !p2, p0  }
0x20: {  	[sflag:s8] =	ssyncset.s32 @!p0 $0xFFFFF086;
	s6 =	sadd.s32 @!p0 s3, s7;
	s7 =	simm.s32 @!p0 $0x108  }
0x21: {  	s3 =	sadd.s32 s3, s9;
	s6 =	sadd.s32 @!p0 $0x88, s6;
	s7 =	simm.s32 @p2 $0x1082  }
0x22: {  	[simem:s7], [sflag:s8] =	dma.local @!p0 [hbm:s6], $0xF7A  }
0x23: {  	s9 =	sor.u32 $0xD0000000, s2;
	s6 =	simm.s32 $0x108;
	_ =	swait.ge @!p0 [sflag:s8], $0x0  }
0x24: {  	s3 =	sadd.s32 $0x88, s3;
	s6 =	simm.s32 @!p1 $0x1082;
	[sflag:s4] =	ssyncset.s32 $0xFFFFF086  }
0x25: {  	[simem:s6], [sflag:s4] =	dma.local [hbm:s3], $0xF7A  }
0x26: {  	[smem:$0x3F8E] =	sst s1;
	(tag) =	ssettag s2;
	_ =	strace s9  }
0x27: {  	s1 =	sld [smem:$0x3F9E]  }
0x28: {  	s2 =	sld [smem:$0x3F9F]  }
0x29: {  	s4 =	sld [smem:$0x3FA1]  }
0x2a: {  	p0 =	seq.s32 s5, $0x0;
	s5 =	sld [smem:$0x3FA2]  }
0x2b: {  	s6 =	sld [smem:$0x3FA3]  }
0x2c: {  	s7 =	sld [smem:$0x3FA4]  }
0x2d: {  	s3 =	simm.s32 $0x108;
	s8 =	sld [smem:$0x3FA5]  }
0x2e: {  	s3 =	simm.s32 @!p0 $0x1082;
	s9 =	sld [smem:$0x3FA6]  }
0x2f: {  	lr =	sadd.s32 s0, s3;
	s0 =	sld [smem:$0x3F9D]  }
0x30: {  	s3 =	sld [smem:$0x3FA0]  }
0x31: {  	[smem:$0x3FA9] =	sst s10  }
0x32: {  	s10 =	sld [smem:$0x3FA7];
	_ =	sdelay $0x3  }
0x33: {  	p0 =	seq.s32 s10, $0x1;
	s10 =	sld [smem:$0x3FA9];
	_ =	sdelay $0x3  }
0x34: {  	[smem:$0x3FA9] =	sst s10  }
0x35: {  	s10 =	sld [smem:$0x3FA8];
	_ =	sdelay $0x3  }
0x36: {  	p1 =	seq.s32 s10, $0x1;
	s10 =	sld [smem:$0x3FA9];
	_ =	sdelay $0x3  }
0x37: {  	[smem:$0x3FA9] =	sst s10  }
0x38: {  	s10 =	sld [smem:$0x3FAA]  }
0x39: {  	_ = 	snop;
	(pc) =	sbr.ind lr, $3  }
0x3a: {  	_ = 	snop  }
0x3b: {  	_ = 	snop  }
0x3c: {  	p2 =	seq.s32 s10, $0x1;
	s10 =	sld [smem:$0x3FA9]  }
0x3d: {  	_ =	shalt  }
0x3e: {  	_ =	shalt  }
0x3f: {  	_ =	shalt  }
0x40: {  	_ =	shalt  }
0x41: {  	_ =	shalt  }
0x42: {  	_ =	shalt  }
0x43: {  	_ =	shalt  }
0x44: {  	_ =	shalt  }
0x45: {  	_ =	shalt  }
0x46: {  	_ =	shalt  }
0x47: {  	_ =	shalt  }
0x48: {  	_ =	shalt  }
0x49: {  	_ =	shalt  }
0x4a: {  	_ =	shalt  }
0x4b: {  	_ =	shalt  }
0x4c: {  	_ =	shalt  }
0x4d: {  	_ =	shalt  }
0x4e: {  	_ =	shalt  }
0x4f: {  	_ =	shalt  }
0x50: {  	_ =	shalt  }
0x51: {  	_ =	shalt  }
0x52: {  	_ =	shalt  }
0x53: {  	_ =	shalt  }
0x54: {  	_ =	shalt  }
0x55: {  	_ =	shalt  }
0x56: {  	_ =	shalt  }
0x57: {  	_ =	shalt  }
0x58: {  	_ =	shalt  }
0x59: {  	_ =	shalt  }
0x5a: {  	_ =	shalt  }
0x5b: {  	_ =	shalt  }
0x5c: {  	_ =	shalt  }
0x5d: {  	_ =	shalt  }
0x5e: {  	_ =	shalt  }
0x5f: {  	_ =	shalt  }
0x60: {  	_ =	shalt  }
0x61: {  	_ =	shalt  }
0x62: {  	_ =	shalt  }
0x63: {  	_ =	shalt  }
0x64: {  	_ =	shalt  }
0x65: {  	_ =	shalt  }
0x66: {  	_ =	shalt  }
0x67: {  	_ =	shalt  }
0x68: {  	_ =	shalt  }
0x69: {  	_ =	shalt  }
0x6a: {  	_ =	shalt  }
0x6b: {  	_ =	shalt  }
0x6c: {  	_ =	shalt  }
0x6d: {  	_ =	shalt  }
0x6e: {  	_ =	shalt  }
0x6f: {  	_ =	shalt  }
0x70: {  	_ =	shalt  }
0x71: {  	_ =	shalt  }
0x72: {  	_ =	shalt  }
0x73: {  	_ =	shalt  }
0x74: {  	_ =	shalt  }
0x75: {  	_ =	shalt  }
0x76: {  	_ =	shalt  }
0x77: {  	_ =	shalt  }
0x78: {  	_ =	shalt  }
0x79: {  	_ =	shalt  }
0x7a: {  	_ =	shalt  }
0x7b: {  	_ =	shalt  }
0x7c: {  	_ =	shalt  }
0x7d: {  	_ =	shalt  }
0x7e: {  	_ =	shalt  }
0x7f: {  	_ =	shalt  }
0x80: {  	_ =	shalt  }
0x81: {  	_ =	shalt  }
0x82: {  	_ =	shalt  }
0x83: {  	_ =	shalt  }
0x84: {  	_ =	shalt  }
0x85: {  	_ =	shalt  }
0x86: {  	_ =	shalt  }
0x87: {  	_ =	shalt  }
.Lfunc_end0:
.L_simem_size_0:
called_computation.1_lowered:
.L_overlay_start_0:
0x88: {  	s2 =	sld [smem:$0x3FD9]  }
0x89: {  	s3 =	sld [smem:$0x3FFE];
	_ =	sdelay $0x1  }
0x8a: {  	s1 =	srdreg.scid  }
0x8b: {  	s0 =	sand.u32 $0x1, s1  }
0x8c: {  	s17 =	sshll.u32 s0, $0xA;
	s2 =	sadd.s32 s3, s2  }
0x8d: {  	s2 =	sadd.s32 s2, s17  }
0x8e: {  	[smem:$0x3FB5] =	sst s2  }
0x8f: {  	_ = 	snop  }
0x90: {  	s2 =	sld [smem:$0x3FD0];
	(tm) =	ssettm $0x1  }
0x91: {  	s18 =	sld [smem:$0x3FFB];
	_ =	sdelay $0x3  }
0x92: {  	_ =	strace s18  }
0x93: {  	s3 =	sld [smem:$0x3FFC];
	_ =	sdelay $0x3  }
0x94: {  	_ =	strace s3  }
0x95: {  	s3 =	sld [smem:$0x3FFD];
	_ =	sdelay $0x3  }
0x96: {  	_ =	strace s3  }
0x97: {  	_ =	strace $0x8FFFFFFF  }
0x98: {  	s19 =	sld [smem:$0x3FDB];
	_ =	sdelay $0x1  }
0x99: {  	s4 =	simm.s32 $_scs_section_size  }
0x9a: {  	s5 =	simm.s32 $_size__tile_overlayer_lowered;
	s6 =	simm.s32 $_tile_overlayer_lowered  }
0x9b: {  	s22 =	simm.s32 $0x1BFF;
	s21 =	sshll.u32 s6, $0x1;
	s3 =	sadd.s32 s4, s19  }
0x9c: {  	s7 =	simm.s32 $0x0;
	s20 =	sshll.u32 s5, $0x1;
	s5 =	sadd.s32 s21, s3  }
0x9d: {  	[timem:s7], [sflag:s22] =	dma.local [hbm:s5], s20  }
0x9e: {  	_ =	swait.ge [sflag:s22], s20  }
0x9f: {  	s4 =	ssub.s32 $0x0, s20;
	[sflag:s22] =	ssyncset.done $0x0  }
0xa0: {  	[sflag:s22] =	ssyncadd.s32 s4;
	_ =	sdelay $0x1  }
0xa1: {  	s23 =	simm.s32 $0x1B8B  }
0xa2: {  	_ =	swait.ge [sflag:s23], $0x1  }
0xa3: {  	[sflag:s23] =	ssyncset.done $0x0  }
0xa4: {  	s25 =	simm.s32 $0x1B8E;
	s24 =	sld [smem:$0x3FFE];
	[sflag:s23] =	ssyncadd.s32 $0xFFFFFFFF  }
0xa5: {  	s26 =	simm.s32 $execute0_lowered;
	[smem:$0x3FD2] =	sst s25  }
0xa6: {  	s5 =	sshll.u32 s26, $0x1;
	_ =	strace $0x80000049;
	[dreg:$0x1] =	wrdreg $0xFFFFFFFF  }
0xa7: {  	s28 =	simm.s32 $_size_execute0_lowered;
	s3 =	sadd.s32 s3, s5;
	[dreg:$0x0] =	wrdreg $0x0  }
0xa8: {  	s5 =	sshll.u32 s28, $0x1;
	[dreg:$0x2] =	wrdreg s3  }
0xa9: {  	[dreg:$0x3] =	wrdreg s5  }
0xaa: {  	[dreg:$0x4] =	wrdreg $0xC0  }
0xab: {  	_ =	task [dreg:s7], $0x5FFFF  }
0xac: {  	[dreg:$0x1] =	wrdreg $0xFFFFFFFF  }
0xad: {  	[dreg:$0x0] =	wrdreg $0x60  }
0xae: {  	[dreg:$0x2] =	wrdreg s24  }
0xaf: {  	[dreg:$0x3] =	wrdreg s2  }
0xb0: {  	[dreg:$0x4] =	wrdreg $0x0  }
0xb1: {  	[dreg:$0x5] =	wrdreg $0x9  }
0xb2: {  	_ =	task.clear_ibuf [dreg:s7], $0x6FFFF;
	_ =	strace $0x90000049  }
0xb3: {  	s29 =	simm.s32 $0x9;
	_ =	strace $0x8000004B  }
0xb4: {  	_ =	swait.ge [sflag:s29], $0x1  }
0xb5: {  	[sflag:s29] =	ssyncadd.s32 $0xFFFFFFFF  }
0xb6: {  	_ =	strace $0x9000004B  }
0xb7: {  	_ =	sfence  }
0xb8: {  	s30 =	sld [smem:$0x0];
	_ =	sdelay $0x2  }
0xb9: {  	s31 =	sshll.u32 s1, $0xD;
	s1 =	sshrl.u32 s1, $0x2  }
0xba: {  	s3 =	sand.u32 $0x4000, s31;
	s1 =	sadd.s32 s1, s30  }
0xbb: {  	s0 =	sor.u32 s3, s0;
	s1 =	sshll.u32 s1, $0x11  }
0xbc: {  	s0 =	sor.u32 s1, s0  }
0xbd: {  	s0 =	sadd.s32 $0x8F2B, s0  }
0xbe: {  	[sflag:s0] =	ssyncadd.remote.s32 $0x1  }
0xbf: {  	_ =	sfence.sel $0xFFFF  }
0xc0: {  	[dreg:$0x0] =	wrdreg $0xFFFFFFFF;
	(pc) =	sbr.abs _section_cstart, $3  }
0xc1: {  	[dreg:$0x1] =	wrdreg $0xFFFFFFFF  }
0xc2: {  	_ =	task.clear_ibuf [dreg:s7], $0x2FFFF;
	_ =	strace $0x9FFFFFFF  }
0xc3: {  	(tm) =	ssettm $0x7FFFFFFF  }
tec
execute0_lowered:
.L_overlay_start_1:
0x0: {  	(tag) =	ssettag $0x1  }
0x1: {  	s0 =	rddreg [dreg:$0x0]  }
0x2: {  	s1 =	srdreg.scid;
	s5 =	rddreg [dreg:$0x1]  }
0x3: {  	s2 =	rddreg [dreg:$0x2];
	s11 =	stileid.u32;
	s3 =	simm.s32 $0x0  }
0x4: {  	s28 =	simm.s32 $0x3;
	s29 =	simm.s32 $0x80;
	s30 =	simm.s32 $0x2  }
0x5: {  	s31 =	simm.s32 $0x4;
	s13 =	sadd.s32 $0xA34200, s0;
	s12 =	sadd.s32 $0x548200, s0  }
0x6: {  	s1 =	sand.u32 $0x1, s1;
	s18 =	sadd.s32 $0x529600, s0;
	s14 =	smul.u32 $0x50000, s11  }
0x7: {  	[smem:$0x7FF] =	sst s3;
	s19 =	sadd.s32 $0x552200, s0;
	s6 =	smul.u32 $0x2800, s11  }
0x8: {  	s7 =	sadd.s32 $0x29400, s0;
	s20 =	sadd.s32 $0x57A200, s0;
	s10 =	smul.u32 $0xA00, s11  }
0x9: {  	s22 =	sshll.u32 s11, $0x6;
	_ =	strace $0x8000004A;
	[dreg:$0x4] =	wrdreg s18  }
0xa: {  	s4 =	sshll.u32 s1, $0x4;
	s8 =	ssub.s32 $0x2, s1;
	[dreg:$0x5] =	wrdreg s19  }
0xb: {  	[dreg:$0x6] =	wrdreg s20;
	p0 =	seq.s32 s1, $0x0;
	s4 =	sor.u32 s11, s4  }
0xc: {  	s9 =	sshrl.u32 s8, $0x1;
	s21 =	sshrl.u32 s14, $0x2;
	s11 =	smul.u32 $0x5000, s11  }
0xd: {  	s10 =	sadd.s32 s12, s10;
	s4 =	smul.u32 $0x500, s4;
	s17 =	ssub.s32 s8, s9  }
0xe: {  	s20 =	sadd.s32 s21, s2;
	s8 =	sadd.s32 s5, s6;
	s9 =	sor.u32 $0x1C07, s22  }
0xf: {  	s19 =	sadd.s32 $0x30, s10;
	s21 =	simm.s32 $0x7;
	s22 =	simm.s32 $0x14000  }
0x10: {  	s23 =	sor.u32 $0x80, s11;
	s11 =	sadd.s32 s13, s14;
	s14 =	sadd.s32 s7, s14  }
0x11: {  	s17 =	smax.u32 s17, $0x1;
	s20 =	sshrl.u32 s20, $0x3;
	s16 =	sshrl.u32 s23, $0x3  }
0x12: {  	s15 =	sadd.s32 s4, s0;
	s5 =	sshll.u32 s23, $0x4;
	s24 =	sadd.s32 s12, s16  }
0x13: {  	s23 =	simm.s32 $0x16900;
	s25 =	sadd.s32 s13, s5;
	[dreg:$0x7] =	wrdreg s24  }
0x14: {  	s13 =	simm.s32 $0x5A2200;
	s26 =	sadd.s32 s7, s5;
	[dreg:$0x8] =	wrdreg s25  }
0x15: {  	s16 =	sadd.s32 $0x53E200, s15;
	s7 =	simm.s32 $0x0;
	[dreg:$0x9] =	wrdreg s26  }
0x16: {  	s13 =	simm.s32 @!p0 $0x5CA200;
	p0 =	sne.s32 s1, $0x0;
	s24 =	simm.s32 $0x14080  }
0x17: {  	s25 =	simm.s32 $0x1A900;
	s26 =	simm.s32 $0x1;
	s0 =	sadd.s32 s13, s0  }
0x18: {  	s1 =	simm.s32 $0x6;
	s18 =	sadd.s32 s0, s6;
	s0 =	simm.s32 $0x5  }
.LBB2_1:
0x19: {  	[spmem:s20], [sflag:s9] =	dma.local [hbm:s8], $0x2800  }
.Ltmp0:
0x1a: {  	_ =	swait.ge [sflag:s21], $0x2800;
	(pc) =	sbr.rel @p0 .LBB2_5-.Ltmp0, $4  }
0x1b: {  	[sflag:s21] =	ssyncset.done $0x0  }
0x1c: {  	[sflag:s21] =	ssyncadd.s32 $0xFFFFD800  }
0x1d: {  	[bflag:$0x0] =	sbarrier.arrive $0xFFFF  }
0x1e: {  	[tilespmem:s22], [sflag:$0x1] =	stream.linear.gather [hbm4b:s10+s3], $0x80, $0x38;
	[tilespmem:$0x1E900] =	vst v63  }
0x1f: {  	s5 =	simm.s32 $0x0  }
0x20: {  	[tilespmem:s23], [sflag:$0x3] =	stream.linear.gather [hbm4b:s14+s5], $0x4000, $0x38;
	[tilespmem:$0x1E900] =	vst v63  }
0x21: {  	s4 =	rddreg [dreg:$0x7]  }
0x22: {  	[tilespmem:s24], [sflag:$0x2] =	stream.linear.gather [hbm4b:s4+s5], $0x80, $0x38;
	[tilespmem:$0x1E900] =	vst v63  }
0x23: {  	s15 =	rddreg [dreg:$0x9]  }
0x24: {  	[tilespmem:s25], [sflag:$0x4] =	stream.linear.gather [hbm4b:s15+s5], $0x4000, $0x38;
	[tilespmem:$0x1E900] =	vst v63  }
0x25: {  	_ =	swait.ge [sflag:s26], $0x80  }
0x26: {  	[sflag:s26] =	ssyncset.done $0x0  }
0x27: {  	[sflag:s26] =	ssyncadd.s32 $0xFFFFFF80  }
0x28: {  	_ =	swait.ge [sflag:s28], $0x4000  }
0x29: {  	[sflag:s28] =	ssyncset.done $0x0  }
0x2a: {  	[sflag:s28] =	ssyncadd.s32 $0xFFFFC000  }
0x2b: {  	[spmem:s2] =	stream.indirect.scatter.add.f32 [tilespmem:s23], [sflag:$0x5], $0x80, s22, s29, $0xb8;
	[tilespmem:$0x1E900] =	vst v63  }
0x2c: {  	_ =	swait.ge [sflag:s30], $0x80  }
0x2d: {  	[sflag:s30] =	ssyncset.done $0x0  }
0x2e: {  	[sflag:s30] =	ssyncadd.s32 $0xFFFFFF80  }
0x2f: {  	_ =	swait.ge [sflag:s31], $0x4000  }
0x30: {  	[sflag:s31] =	ssyncset.done $0x0  }
0x31: {  	[sflag:s31] =	ssyncadd.s32 $0xFFFFC000  }
0x32: {  	[spmem:s2] =	stream.indirect.scatter.add.f32 [tilespmem:s25], [sflag:$0x6], $0x80, s24, s29, $0xb8;
	[tilespmem:$0x1E900] =	vst v63  }
0x33: {  	_ =	swait.ge [sflag:s0], $0x4000  }
0x34: {  	[sflag:s0] =	ssyncset.done $0x0  }
0x35: {  	s12 =	sadd.s32 $0xFFFFFFF0, s19;
	s15 =	sadd.s32 $0x0, s14;
	[sflag:s0] =	ssyncadd.s32 $0xFFFFC000  }
0x36: {  	[tilespmem:s22], [sflag:$0x1] =	stream.linear.gather [hbm4b:s12+s3], $0x80, $0x38;
	[tilespmem:$0x1E900] =	vst v63  }
0x37: {  	s13 =	sadd.s32 $0x1000, s15  }
0x38: {  	[tilespmem:s23], [sflag:$0x3] =	stream.linear.gather [hbm4b:s13+s3], $0x4000, $0x38;
	[tilespmem:$0x1E900] =	vst v63  }
0x39: {  	_ =	swait.ge [sflag:s1], $0x4000  }
0x3a: {  	s5 =	sadd.s32 $0x1800, s15;
	[sflag:s1] =	ssyncset.done $0x0  }
0x3b: {  	s15 =	sadd.s32 $0x20, s19;
	s13 =	simm.s32 $0x1000;
	[sflag:s1] =	ssyncadd.s32 $0xFFFFC000  }
0x3c: {  	[tilespmem:s24], [sflag:$0x2] =	stream.linear.gather [hbm4b:s19+s3], $0x80, $0x38;
	[tilespmem:$0x1E900] =	vst v63  }
.LBB2_3:
0x3d: {  	[tilespmem:s25], [sflag:$0x4] =	stream.linear.gather [hbm4b:s5+s3], $0x4000, $0x38;
	[tilespmem:$0x1E900] =	vst v63  }
0x3e: {  	s5 =	smov.u32 s13  }
0x3f: {  	p1 =	seq.s32 s13, $0x4E000;
	s13 =	sadd.s32 $0x1000, s13;
	_ =	swait.ge [sflag:s26], $0x80  }
0x40: {  	[sflag:s26] =	ssyncset.done $0x0  }
0x41: {  	[sflag:s26] =	ssyncadd.s32 $0xFFFFFF80  }
0x42: {  	_ =	swait.ge [sflag:s28], $0x4000  }
0x43: {  	[sflag:s28] =	ssyncset.done $0x0  }
0x44: {  	[sflag:s28] =	ssyncadd.s32 $0xFFFFC000  }
0x45: {  	[spmem:s2] =	stream.indirect.scatter.add.f32 [tilespmem:s23], [sflag:$0x5], $0x80, s22, s29, $0xb8;
	[tilespmem:$0x1E900] =	vst v63  }
0x46: {  	_ =	swait.ge [sflag:s30], $0x80  }
0x47: {  	[sflag:s30] =	ssyncset.done $0x0  }
0x48: {  	[sflag:s30] =	ssyncadd.s32 $0xFFFFFF80  }
0x49: {  	_ =	swait.ge [sflag:s31], $0x4000  }
0x4a: {  	[sflag:s31] =	ssyncset.done $0x0  }
0x4b: {  	[sflag:s31] =	ssyncadd.s32 $0xFFFFC000  }
0x4c: {  	[spmem:s2] =	stream.indirect.scatter.add.f32 [tilespmem:s25], [sflag:$0x6], $0x80, s24, s29, $0xb8;
	[tilespmem:$0x1E900] =	vst v63  }
0x4d: {  	_ =	swait.ge [sflag:s0], $0x4000  }
0x4e: {  	[sflag:s0] =	ssyncset.done $0x0  }
0x4f: {  	s4 =	sadd.s32 $0xFFFFFFF0, s15;
	s5 =	sadd.s32 s5, s14;
	[sflag:s0] =	ssyncadd.s32 $0xFFFFC000  }
0x50: {  	[tilespmem:s22], [sflag:$0x1] =	stream.linear.gather [hbm4b:s4+s3], $0x80, $0x38;
	[tilespmem:$0x1E900] =	vst v63  }
0x51: {  	s4 =	sadd.s32 $0x1000, s5  }
0x52: {  	[tilespmem:s23], [sflag:$0x3] =	stream.linear.gather [hbm4b:s4+s3], $0x4000, $0x38;
	[tilespmem:$0x1E900] =	vst v63  }
.Ltmp1:
0x53: {  	_ =	swait.ge [sflag:s1], $0x4000;
	(pc) =	sbr.rel @!p1 .LBB2_3-.Ltmp1, $4  }
0x54: {  	[sflag:s1] =	ssyncset.done $0x0  }
0x55: {  	[sflag:s1] =	ssyncadd.s32 $0xFFFFC000  }
0x56: {  	[tilespmem:s24], [sflag:$0x2] =	stream.linear.gather [hbm4b:s15+s3], $0x80, $0x38;
	[tilespmem:$0x1E900] =	vst v63  }
0x57: {  	s5 =	sadd.s32 $0x1800, s5;
	s15 =	sadd.s32 $0x20, s15  }
.Ltmp2:
0x58: {  	(pc) =	sbr.rel .LBB2_8-.Ltmp2, $3  }
0x59: {  	_ =	sdelay $0x1  }
0x5a: {  	[tilespmem:s25], [sflag:$0x4] =	stream.linear.gather [hbm4b:s5+s3], $0x4000, $0x38;
	[tilespmem:$0x1E900] =	vst v63  }
0x5b: {  	s13 =	rddreg [dreg:$0x5]  }
.LBB2_5:
0x5c: {  	s4 =	simm.s32 $0x0  }
0x5d: {  	[tilespmem:s23], [sflag:$0x3] =	stream.linear.gather [hbm4b:s11+s4], $0x4000, $0x38;
	[tilespmem:$0x1E900] =	vst v63  }
0x5e: {  	s5 =	rddreg [dreg:$0x7]  }
0x5f: {  	[tilespmem:s24], [sflag:$0x2] =	stream.linear.gather [hbm4b:s5+s4], $0x80, $0x38;
	[tilespmem:$0x1E900] =	vst v63  }
0x60: {  	s15 =	rddreg [dreg:$0x8]  }
0x61: {  	[tilespmem:s25], [sflag:$0x4] =	stream.linear.gather [hbm4b:s15+s4], $0x4000, $0x38;
	[tilespmem:$0x1E900] =	vst v63  }
0x62: {  	_ =	swait.ge [sflag:s26], $0x80  }
0x63: {  	[sflag:s26] =	ssyncset.done $0x0  }
0x64: {  	[sflag:s26] =	ssyncadd.s32 $0xFFFFFF80  }
0x65: {  	_ =	swait.ge [sflag:s28], $0x4000  }
0x66: {  	[sflag:s28] =	ssyncset.done $0x0  }
0x67: {  	[sflag:s28] =	ssyncadd.s32 $0xFFFFC000  }
0x68: {  	[spmem:s2] =	stream.indirect.scatter.add.f32 [tilespmem:s23], [sflag:$0x5], $0x80, s22, s29, $0xb8;
	[tilespmem:$0x1E900] =	vst v63  }
0x69: {  	_ =	swait.ge [sflag:s30], $0x80  }
0x6a: {  	[sflag:s30] =	ssyncset.done $0x0  }
0x6b: {  	[sflag:s30] =	ssyncadd.s32 $0xFFFFFF80  }
0x6c: {  	_ =	swait.ge [sflag:s31], $0x4000  }
0x6d: {  	[sflag:s31] =	ssyncset.done $0x0  }
0x6e: {  	[sflag:s31] =	ssyncadd.s32 $0xFFFFC000  }
0x6f: {  	[spmem:s2] =	stream.indirect.scatter.add.f32 [tilespmem:s25], [sflag:$0x6], $0x80, s24, s29, $0xb8;
	[tilespmem:$0x1E900] =	vst v63  }
0x70: {  	_ =	swait.ge [sflag:s0], $0x4000  }
0x71: {  	[sflag:s0] =	ssyncset.done $0x0  }
0x72: {  	s12 =	sadd.s32 $0x0, s11;
	s5 =	sadd.s32 $0xFFFFFFF0, s19;
	[sflag:s0] =	ssyncadd.s32 $0xFFFFC000  }
0x73: {  	[tilespmem:s22], [sflag:$0x1] =	stream.linear.gather [hbm4b:s5+s3], $0x80, $0x38;
	[tilespmem:$0x1E900] =	vst v63  }
0x74: {  	s15 =	sadd.s32 $0x1000, s12  }
0x75: {  	[tilespmem:s23], [sflag:$0x3] =	stream.linear.gather [hbm4b:s15+s3], $0x4000, $0x38;
	[tilespmem:$0x1E900] =	vst v63  }
0x76: {  	_ =	swait.ge [sflag:s1], $0x4000  }
0x77: {  	s13 =	simm.s32 $0x1000;
	[sflag:s1] =	ssyncset.done $0x0  }
0x78: {  	s5 =	sadd.s32 $0x1800, s12;
	s15 =	sadd.s32 $0x20, s19;
	[sflag:s1] =	ssyncadd.s32 $0xFFFFC000  }
0x79: {  	[tilespmem:s24], [sflag:$0x2] =	stream.linear.gather [hbm4b:s19+s3], $0x80, $0x38;
	[tilespmem:$0x1E900] =	vst v63  }
.LBB2_6:
0x7a: {  	[tilespmem:s25], [sflag:$0x4] =	stream.linear.gather [hbm4b:s5+s3], $0x4000, $0x38;
	[tilespmem:$0x1E900] =	vst v63  }
0x7b: {  	s4 =	smov.u32 s13  }
0x7c: {  	p1 =	sne.s32 s13, $0x4E000;
	s13 =	sadd.s32 $0x1000, s13;
	_ =	swait.ge [sflag:s26], $0x80  }
0x7d: {  	[sflag:s26] =	ssyncset.done $0x0  }
0x7e: {  	[sflag:s26] =	ssyncadd.s32 $0xFFFFFF80  }
0x7f: {  	_ =	swait.ge [sflag:s28], $0x4000  }
0x80: {  	[sflag:s28] =	ssyncset.done $0x0  }
0x81: {  	[sflag:s28] =	ssyncadd.s32 $0xFFFFC000  }
0x82: {  	[spmem:s2] =	stream.indirect.scatter.add.f32 [tilespmem:s23], [sflag:$0x5], $0x80, s22, s29, $0xb8;
	[tilespmem:$0x1E900] =	vst v63  }
0x83: {  	_ =	swait.ge [sflag:s30], $0x80  }
0x84: {  	[sflag:s30] =	ssyncset.done $0x0  }
0x85: {  	[sflag:s30] =	ssyncadd.s32 $0xFFFFFF80  }
0x86: {  	_ =	swait.ge [sflag:s31], $0x4000  }
0x87: {  	[sflag:s31] =	ssyncset.done $0x0  }
0x88: {  	[sflag:s31] =	ssyncadd.s32 $0xFFFFC000  }
0x89: {  	[spmem:s2] =	stream.indirect.scatter.add.f32 [tilespmem:s25], [sflag:$0x6], $0x80, s24, s29, $0xb8;
	[tilespmem:$0x1E900] =	vst v63  }
0x8a: {  	_ =	swait.ge [sflag:s0], $0x4000  }
0x8b: {  	[sflag:s0] =	ssyncset.done $0x0  }
0x8c: {  	s5 =	sadd.s32 $0xFFFFFFF0, s15;
	s4 =	sadd.s32 s4, s11;
	[sflag:s0] =	ssyncadd.s32 $0xFFFFC000  }
0x8d: {  	[tilespmem:s22], [sflag:$0x1] =	stream.linear.gather [hbm4b:s5+s3], $0x80, $0x38;
	[tilespmem:$0x1E900] =	vst v63  }
0x8e: {  	s5 =	sadd.s32 $0x1000, s4  }
0x8f: {  	[tilespmem:s23], [sflag:$0x3] =	stream.linear.gather [hbm4b:s5+s3], $0x4000, $0x38;
	[tilespmem:$0x1E900] =	vst v63  }
.Ltmp3:
0x90: {  	_ =	swait.ge [sflag:s1], $0x4000;
	(pc) =	sbr.rel @p1 .LBB2_6-.Ltmp3, $4  }
0x91: {  	[sflag:s1] =	ssyncset.done $0x0  }
0x92: {  	[sflag:s1] =	ssyncadd.s32 $0xFFFFC000  }
0x93: {  	[tilespmem:s24], [sflag:$0x2] =	stream.linear.gather [hbm4b:s15+s3], $0x80, $0x38;
	[tilespmem:$0x1E900] =	vst v63  }
0x94: {  	s5 =	sadd.s32 $0x1800, s4;
	s15 =	sadd.s32 $0x20, s15  }
0x95: {  	[tilespmem:s25], [sflag:$0x4] =	stream.linear.gather [hbm4b:s5+s3], $0x4000, $0x38;
	[tilespmem:$0x1E900] =	vst v63  }
0x96: {  	s13 =	rddreg [dreg:$0x6]  }
.LBB2_8:
0x97: {  	_ =	swait.ge [sflag:s26], $0x80  }
0x98: {  	[sflag:s26] =	ssyncset.done $0x0  }
0x99: {  	[sflag:s26] =	ssyncadd.s32 $0xFFFFFF80  }
0x9a: {  	_ =	swait.ge [sflag:s28], $0x4000  }
0x9b: {  	[sflag:s28] =	ssyncset.done $0x0  }
0x9c: {  	[sflag:s28] =	ssyncadd.s32 $0xFFFFC000  }
0x9d: {  	[spmem:s2] =	stream.indirect.scatter.add.f32 [tilespmem:s23], [sflag:$0x5], $0x80, s22, s29, $0xb8;
	[tilespmem:$0x1E900] =	vst v63  }
0x9e: {  	_ =	swait.ge [sflag:s30], $0x80  }
0x9f: {  	[sflag:s30] =	ssyncset.done $0x0  }
0xa0: {  	[sflag:s30] =	ssyncadd.s32 $0xFFFFFF80  }
0xa1: {  	_ =	swait.ge [sflag:s31], $0x4000  }
0xa2: {  	[sflag:s31] =	ssyncset.done $0x0  }
0xa3: {  	[sflag:s31] =	ssyncadd.s32 $0xFFFFC000  }
0xa4: {  	[spmem:s2] =	stream.indirect.scatter.add.f32 [tilespmem:s25], [sflag:$0x6], $0x80, s24, s29, $0xb8;
	[tilespmem:$0x1E900] =	vst v63  }
0xa5: {  	_ =	swait.ge [sflag:s0], $0x4000  }
0xa6: {  	[sflag:s0] =	ssyncset.done $0x0  }
0xa7: {  	[sflag:s0] =	ssyncadd.s32 $0xFFFFC000  }
0xa8: {  	_ =	swait.ge [sflag:s1], $0x4000  }
0xa9: {  	[sflag:s1] =	ssyncset.done $0x0  }
0xaa: {  	[sflag:s1] =	ssyncadd.s32 $0xFFFFC000  }
0xab: {  	s4 =	sadd.s32 s13, s6;
	[bflag:$0x0] =	sbarrier.arrive $0xFFFF  }
0xac: {  	[hbm:s4], [sflag:s9] =	dma.local [spmem:s20], $0x2800  }
0xad: {  	_ =	swait.ge [sflag:s21], $0x2800  }
0xae: {  	[sflag:s21] =	ssyncset.done $0x0  }
0xaf: {  	[sflag:s21] =	ssyncadd.s32 $0xFFFFD800  }
0xb0: {  	[spmem:s20], [sflag:s9] =	dma.local [hbm:s8], $0x2800  }
0xb1: {  	_ =	swait.ge [sflag:s21], $0x2800  }
0xb2: {  	[sflag:s21] =	ssyncset.done $0x0  }
0xb3: {  	s15 =	simm.s32 $0x0;
	s5 =	rddreg [dreg:$0x4];
	[sflag:s21] =	ssyncadd.s32 $0xFFFFD800  }
0xb4: {  	[tilespmem:s23], [sflag:$0x7] =	stream.linear.gather [hbm4b:s5+s15], $0x4000, $0x38;
	[tilespmem:$0x1E900] =	vst v63  }
0xb5: {  	_ =	swait.ge [sflag:s21], $0x4000  }
0xb6: {  	[sflag:s21] =	ssyncset.done $0x0  }
0xb7: {  	s12 =	simm.s32 $0x14100;
	[sflag:s21] =	ssyncadd.s32 $0xFFFFC000  }
0xb8: {  	[tilespmem:s12], [sflag:$0x7] =	stream.linear.gather [hbm4b:s16+s15], $0x2800, $0x38;
	[tilespmem:$0x1E900] =	vst v63  }
0xb9: {  	_ =	swait.ge [sflag:s21], $0x2800  }
0xba: {  	[sflag:s21] =	ssyncset.done $0x0  }
0xbb: {  	[sflag:s21] =	ssyncadd.s32 $0xFFFFD800  }
0xbc: {  	s13 =	simm.s32 $0x14100;
	[bflag:$0x0] =	sbarrier.arrive $0xFFFF  }
0xbd: {  	[spmem:s2] =	stream.indirect.scatter.add.f32 [tilespmem:s23], [sflag:$0x5], $0x80, s13, s29, $0xb8;
	[tilespmem:$0x1E900] =	vst v63  }
0xbe: {  	s15 =	simm.s32 $0x14180  }
0xbf: {  	[spmem:s2] =	stream.indirect.scatter.add.f32 [tilespmem:s23], [sflag:$0x6], $0x80, s15, s29, $0xb8;
	[tilespmem:$0x1E900] =	vst v63  }
0xc0: {  	_ =	swait.ge [sflag:s0], $0x4000  }
0xc1: {  	[sflag:s0] =	ssyncset.done $0x0  }
0xc2: {  	[sflag:s0] =	ssyncadd.s32 $0xFFFFC000  }
0xc3: {  	_ =	swait.ge [sflag:s1], $0x4000  }
0xc4: {  	s13 =	simm.s32 $0x100;
	s15 =	simm.s32 $0x800;
	[sflag:s1] =	ssyncset.done $0x0  }
.LBB2_9:
0xc5: {  	s4 =	sadd.s32 $0x14100, s13  }
0xc6: {  	[sflag:s1] =	ssyncadd.s32 $0xFFFFC000;
	s5 =	smov.u32 s15;
	s12 =	sadd.s32 $0x400, s15  }
0xc7: {  	[spmem:s2] =	stream.indirect.scatter.add.f32 [tilespmem:s23], [sflag:$0x5], $0x80, s4, s29, $0xb8;
	[tilespmem:$0x1E900] =	vst v63  }
0xc8: {  	p1 =	sne.s32 s15, $0x9C00;
	s4 =	sadd.s32 $0x14180, s13  }
0xc9: {  	[spmem:s2] =	stream.indirect.scatter.add.f32 [tilespmem:s23], [sflag:$0x6], $0x80, s4, s29, $0xb8;
	[tilespmem:$0x1E900] =	vst v63  }
.Ltmp4:
0xca: {  	_ =	swait.ge [sflag:s0], $0x4000;
	(pc) =	sbr.rel @p1 .LBB2_9-.Ltmp4, $4  }
0xcb: {  	[sflag:s0] =	ssyncset.done $0x0  }
0xcc: {  	[sflag:s0] =	ssyncadd.s32 $0xFFFFC000  }
0xcd: {  	_ =	swait.ge [sflag:s1], $0x4000  }
0xce: {  	s13 =	sshra.s32 s5, $0x2;
	s15 =	smov.u32 s12;
	[sflag:s1] =	ssyncset.done $0x0  }
0xcf: {  	s4 =	sadd.s32 $0x14100, s13;
	[sflag:s1] =	ssyncadd.s32 $0xFFFFC000  }
0xd0: {  	[spmem:s2] =	stream.indirect.scatter.add.f32 [tilespmem:s23], [sflag:$0x5], $0x80, s4, s29, $0xb8;
	[tilespmem:$0x1E900] =	vst v63  }
0xd1: {  	s15 =	sadd.s32 $0x14180, s13  }
0xd2: {  	[spmem:s2] =	stream.indirect.scatter.add.f32 [tilespmem:s23], [sflag:$0x6], $0x80, s15, s29, $0xb8;
	[tilespmem:$0x1E900] =	vst v63  }
0xd3: {  	_ =	swait.ge [sflag:s0], $0x4000  }
0xd4: {  	[sflag:s0] =	ssyncset.done $0x0  }
0xd5: {  	[sflag:s0] =	ssyncadd.s32 $0xFFFFC000  }
0xd6: {  	_ =	swait.ge [sflag:s1], $0x4000  }
0xd7: {  	s7 =	sadd.s32 $0x1, s7;
	[sflag:s1] =	ssyncset.done $0x0  }
0xd8: {  	p1 =	sne.s32 s7, s17;
	[sflag:s1] =	ssyncadd.s32 $0xFFFFC000  }
.Ltmp5:
0xd9: {  	[bflag:$0x0] =	sbarrier.arrive $0xFFFF;
	(pc) =	sbr.rel @p1 .LBB2_1-.Ltmp5, $4  }
0xda: {  	[hbm:s18], [sflag:s9] =	dma.local [spmem:s20], $0x2800  }
0xdb: {  	_ =	swait.ge [sflag:s21], $0x2800  }
0xdc: {  	[sflag:s21] =	ssyncset.done $0x0  }
0xdd: {  	[sflag:s21] =	ssyncadd.s32 $0xFFFFD800  }
0xde: {  	_ =	sfence.sel $0x180000  }
0xdf: {  	[bflag:$0x0] =	sbarrier.arrive $0xFFFF  }
0xe0: {  	_ =	strace $0x9000004A  }
0xe1: {  	s0 =	stileid.u32;
	[bflag:$0x2] =	sbarrier.arrive $0xFFFF  }
0xe2: {  	p0 =	sne.s32 s0, $0x0;
	s0 =	rddreg [dreg:$0x3]  }
0xe3: {  	s0 =	sadd.s32 @!p0 $0x100000, s0  }
0xe4: {  	[sflag:s0] =	ssyncadd.tile.s32 @!p0 $0x1;
	_ =	shalt  }
.Lfunc_end2:
_tile_overlayer_lowered:
.L_overlay_start_2:
0xe5: {  	(tag) =	ssettag $0x2  }
0xe6: {  	s0 =	rddreg [dreg:$0x0];
	s2 =	stileid.u32  }
0xe7: {  	s1 =	rddreg [dreg:$0x1];
	p0 =	sne.s32 s2, $0x0  }
0xe8: {  	s3 =	rddreg [dreg:$0x2];
	[bflag:$0x3] =	sbarrier.arrive $0xFFFF;
	s2 =	simm.s32 @!p0 $0x1C07  }
0xe9: {  	[timem:s3], [sflag:s2] =	dma.local @!p0 [hbm:s0], s1  }
0xea: {  	s0 =	simm.s32 @!p0 $0x7  }
0xeb: {  	_ =	swait.ge @!p0 [sflag:s0], s1  }
0xec: {  	s1 =	ssub.s32 @!p0 $0x0, s1;
	[sflag:s0] =	ssyncset.done @!p0 $0x0  }
0xed: {  	[sflag:s0] =	ssyncadd.s32 @!p0 s1  }
0xee: {  	[bflag:$0x3] =	sbarrier.arrive $0xFFFF  }
0xef: {  	_ =	shalt  }

// kernel: kernel.7.cloned.1.call-start
scs
__scs_entry_jumppad:
0x0: {  	(pc) =	sbr.rel $0x88, $3  }
0x1: {  	(tag) =	ssettag $0x0;
	lr =	simm.s32 $0x1  }
0x2: {  	[smem:$0x3F8E] =	sst lr;
	_ =	strace $0xD0000000  }
0x3: {  	_ = 	snop  }
0x4: {  	_ = 	snop  }
0x5: {  	_ = 	snop  }
0x6: {  	_ = 	snop  }
0x7: {  	_ = 	snop  }
__scs_overlays_trampoline_lowered:
0x8: {  	[smem:$0x3F9D] =	sst s0  }
0x9: {  	[smem:$0x3F9E] =	sst s1  }
0xa: {  	[smem:$0x3F9F] =	sst s2  }
0xb: {  	[smem:$0x3FA0] =	sst s3  }
0xc: {  	[smem:$0x3FA1] =	sst s4  }
0xd: {  	[smem:$0x3FA2] =	sst s5  }
0xe: {  	[smem:$0x3FA3] =	sst s6  }
0xf: {  	[smem:$0x3FA4] =	sst s7  }
0x10: {  	[smem:$0x3FA5] =	sst s8  }
0x11: {  	[smem:$0x3FA6] =	sst s9;
	s0 =	simm.s32 @!p0 $0x0  }
0x12: {  	s1 =	sld [smem:$0x3F8C];
	s0 =	simm.s32 @p0 $0x1  }
0x13: {  	[smem:$0x3FA7] =	sst s0;
	s0 =	simm.s32 @!p1 $0x0  }
0x14: {  	s2 =	sld [smem:$0x3F8B];
	s0 =	simm.s32 @p1 $0x1  }
0x15: {  	[smem:$0x3FA8] =	sst s0;
	s0 =	simm.s32 @!p2 $0x0  }
0x16: {  	s3 =	sld [smem:$0x3FDB];
	s0 =	simm.s32 @p2 $0x1  }
0x17: {  	s4 =	simm.s32 $0x1BF5;
	[smem:$0x3FAA] =	sst s0  }
0x18: {  	s0 =	sld [smem:$0x3F8D];
	_ =	swait.ge [sflag:s4], $0x0  }
0x19: {  	s7 =	sld [smem:$0x3F8E]  }
0x1a: {  	s8 =	sadd.s32 $0xFFFFE003, lr  }
0x1b: {  	s9 =	sadd.s32 $0xFFFFFEF7, lr;
	s5 =	simm.s32 $0xFFFFFFFF;
	p2 =	slt.u32 s8, $0xFFFFF086  }
0x1c: {  	p1 =	slt.u32 s9, $0xF7A;
	s5 =	simm.s32 @!p2 $0x0  }
0x1d: {  	s5 =	simm.s32 @p1 $0x1;
	p0 =	seq.s32 s7, s2  }
0x1e: {  	s7 =	smul.u32 @!p0 $0xF7A, s2;
	p2 =	seq.s32 @!p0 s5, $0x0  }
0x1f: {  	s9 =	smul.u32 $0xF7A, s1;
	s8 =	simm.s32 @!p0 $0x1BF5;
	p2 =	por !p2, p0  }
0x20: {  	[sflag:s8] =	ssyncset.s32 @!p0 $0xFFFFF086;
	s6 =	sadd.s32 @!p0 s3, s7;
	s7 =	simm.s32 @!p0 $0x108  }
0x21: {  	s3 =	sadd.s32 s3, s9;
	s6 =	sadd.s32 @!p0 $0x88, s6;
	s7 =	simm.s32 @p2 $0x1082  }
0x22: {  	[simem:s7], [sflag:s8] =	dma.local @!p0 [hbm:s6], $0xF7A  }
0x23: {  	s9 =	sor.u32 $0xD0000000, s2;
	s6 =	simm.s32 $0x108;
	_ =	swait.ge @!p0 [sflag:s8], $0x0  }
0x24: {  	s3 =	sadd.s32 $0x88, s3;
	s6 =	simm.s32 @!p1 $0x1082;
	[sflag:s4] =	ssyncset.s32 $0xFFFFF086  }
0x25: {  	[simem:s6], [sflag:s4] =	dma.local [hbm:s3], $0xF7A  }
0x26: {  	[smem:$0x3F8E] =	sst s1;
	(tag) =	ssettag s2;
	_ =	strace s9  }
0x27: {  	s1 =	sld [smem:$0x3F9E]  }
0x28: {  	s2 =	sld [smem:$0x3F9F]  }
0x29: {  	s4 =	sld [smem:$0x3FA1]  }
0x2a: {  	p0 =	seq.s32 s5, $0x0;
	s5 =	sld [smem:$0x3FA2]  }
0x2b: {  	s6 =	sld [smem:$0x3FA3]  }
0x2c: {  	s7 =	sld [smem:$0x3FA4]  }
0x2d: {  	s3 =	simm.s32 $0x108;
	s8 =	sld [smem:$0x3FA5]  }
0x2e: {  	s3 =	simm.s32 @!p0 $0x1082;
	s9 =	sld [smem:$0x3FA6]  }
0x2f: {  	lr =	sadd.s32 s0, s3;
	s0 =	sld [smem:$0x3F9D]  }
0x30: {  	s3 =	sld [smem:$0x3FA0]  }
0x31: {  	[smem:$0x3FA9] =	sst s10  }
0x32: {  	s10 =	sld [smem:$0x3FA7];
	_ =	sdelay $0x3  }
0x33: {  	p0 =	seq.s32 s10, $0x1;
	s10 =	sld [smem:$0x3FA9];
	_ =	sdelay $0x3  }
0x34: {  	[smem:$0x3FA9] =	sst s10  }
0x35: {  	s10 =	sld [smem:$0x3FA8];
	_ =	sdelay $0x3  }
0x36: {  	p1 =	seq.s32 s10, $0x1;
	s10 =	sld [smem:$0x3FA9];
	_ =	sdelay $0x3  }
0x37: {  	[smem:$0x3FA9] =	sst s10  }
0x38: {  	s10 =	sld [smem:$0x3FAA]  }
0x39: {  	_ = 	snop;
	(pc) =	sbr.ind lr, $3  }
0x3a: {  	_ = 	snop  }
0x3b: {  	_ = 	snop  }
0x3c: {  	p2 =	seq.s32 s10, $0x1;
	s10 =	sld [smem:$0x3FA9]  }
0x3d: {  	_ =	shalt  }
0x3e: {  	_ =	shalt  }
0x3f: {  	_ =	shalt  }
0x40: {  	_ =	shalt  }
0x41: {  	_ =	shalt  }
0x42: {  	_ =	shalt  }
0x43: {  	_ =	shalt  }
0x44: {  	_ =	shalt  }
0x45: {  	_ =	shalt  }
0x46: {  	_ =	shalt  }
0x47: {  	_ =	shalt  }
0x48: {  	_ =	shalt  }
0x49: {  	_ =	shalt  }
0x4a: {  	_ =	shalt  }
0x4b: {  	_ =	shalt  }
0x4c: {  	_ =	shalt  }
0x4d: {  	_ =	shalt  }
0x4e: {  	_ =	shalt  }
0x4f: {  	_ =	shalt  }
0x50: {  	_ =	shalt  }
0x51: {  	_ =	shalt  }
0x52: {  	_ =	shalt  }
0x53: {  	_ =	shalt  }
0x54: {  	_ =	shalt  }
0x55: {  	_ =	shalt  }
0x56: {  	_ =	shalt  }
0x57: {  	_ =	shalt  }
0x58: {  	_ =	shalt  }
0x59: {  	_ =	shalt  }
0x5a: {  	_ =	shalt  }
0x5b: {  	_ =	shalt  }
0x5c: {  	_ =	shalt  }
0x5d: {  	_ =	shalt  }
0x5e: {  	_ =	shalt  }
0x5f: {  	_ =	shalt  }
0x60: {  	_ =	shalt  }
0x61: {  	_ =	shalt  }
0x62: {  	_ =	shalt  }
0x63: {  	_ =	shalt  }
0x64: {  	_ =	shalt  }
0x65: {  	_ =	shalt  }
0x66: {  	_ =	shalt  }
0x67: {  	_ =	shalt  }
0x68: {  	_ =	shalt  }
0x69: {  	_ =	shalt  }
0x6a: {  	_ =	shalt  }
0x6b: {  	_ =	shalt  }
0x6c: {  	_ =	shalt  }
0x6d: {  	_ =	shalt  }
0x6e: {  	_ =	shalt  }
0x6f: {  	_ =	shalt  }
0x70: {  	_ =	shalt  }
0x71: {  	_ =	shalt  }
0x72: {  	_ =	shalt  }
0x73: {  	_ =	shalt  }
0x74: {  	_ =	shalt  }
0x75: {  	_ =	shalt  }
0x76: {  	_ =	shalt  }
0x77: {  	_ =	shalt  }
0x78: {  	_ =	shalt  }
0x79: {  	_ =	shalt  }
0x7a: {  	_ =	shalt  }
0x7b: {  	_ =	shalt  }
0x7c: {  	_ =	shalt  }
0x7d: {  	_ =	shalt  }
0x7e: {  	_ =	shalt  }
0x7f: {  	_ =	shalt  }
0x80: {  	_ =	shalt  }
0x81: {  	_ =	shalt  }
0x82: {  	_ =	shalt  }
0x83: {  	_ =	shalt  }
0x84: {  	_ =	shalt  }
0x85: {  	_ =	shalt  }
0x86: {  	_ =	shalt  }
0x87: {  	_ =	shalt  }
.Lfunc_end0:
.L_simem_size_0:
called_computation_lowered:
.L_overlay_start_0:
0x88: {  	s2 =	sld [smem:$0x3FD9]  }
0x89: {  	s3 =	sld [smem:$0x3FFE];
	_ =	sdelay $0x1  }
0x8a: {  	s1 =	srdreg.scid  }
0x8b: {  	s0 =	sand.u32 $0x1, s1  }
0x8c: {  	s17 =	sshll.u32 s0, $0xA;
	s2 =	sadd.s32 s3, s2  }
0x8d: {  	s2 =	sadd.s32 s2, s17  }
0x8e: {  	[smem:$0x3FB5] =	sst s2  }
0x8f: {  	_ = 	snop  }
0x90: {  	s2 =	sld [smem:$0x3FD0];
	(tm) =	ssettm $0x1  }
0x91: {  	s18 =	sld [smem:$0x3FFB];
	_ =	sdelay $0x3  }
0x92: {  	_ =	strace s18  }
0x93: {  	s3 =	sld [smem:$0x3FFC];
	_ =	sdelay $0x3  }
0x94: {  	_ =	strace s3  }
0x95: {  	s3 =	sld [smem:$0x3FFD];
	_ =	sdelay $0x3  }
0x96: {  	_ =	strace s3  }
0x97: {  	_ =	strace $0x8FFFFFFF  }
0x98: {  	s19 =	sld [smem:$0x3FDB];
	_ =	sdelay $0x1  }
0x99: {  	s4 =	simm.s32 $_scs_section_size  }
0x9a: {  	s5 =	simm.s32 $_size__tile_overlayer_lowered;
	s6 =	simm.s32 $_tile_overlayer_lowered  }
0x9b: {  	s22 =	simm.s32 $0x1BFF;
	s21 =	sshll.u32 s6, $0x1;
	s3 =	sadd.s32 s4, s19  }
0x9c: {  	s7 =	simm.s32 $0x0;
	s20 =	sshll.u32 s5, $0x1;
	s5 =	sadd.s32 s21, s3  }
0x9d: {  	[timem:s7], [sflag:s22] =	dma.local [hbm:s5], s20  }
0x9e: {  	_ =	swait.ge [sflag:s22], s20  }
0x9f: {  	s4 =	ssub.s32 $0x0, s20;
	[sflag:s22] =	ssyncset.done $0x0  }
0xa0: {  	[sflag:s22] =	ssyncadd.s32 s4;
	_ =	sdelay $0x1  }
0xa1: {  	s23 =	simm.s32 $0x1B8B  }
0xa2: {  	_ =	swait.ge [sflag:s23], $0x1  }
0xa3: {  	[sflag:s23] =	ssyncset.done $0x0  }
0xa4: {  	s25 =	simm.s32 $0x1B8E;
	s24 =	sld [smem:$0x3FFE];
	[sflag:s23] =	ssyncadd.s32 $0xFFFFFFFF  }
0xa5: {  	s26 =	simm.s32 $execute0_lowered;
	[smem:$0x3FD2] =	sst s25  }
0xa6: {  	s5 =	sshll.u32 s26, $0x1;
	_ =	strace $0x80000046;
	[dreg:$0x1] =	wrdreg $0xFFFFFFFF  }
0xa7: {  	s28 =	simm.s32 $_size_execute0_lowered;
	s3 =	sadd.s32 s3, s5;
	[dreg:$0x0] =	wrdreg $0x0  }
0xa8: {  	s5 =	sshll.u32 s28, $0x1;
	[dreg:$0x2] =	wrdreg s3  }
0xa9: {  	[dreg:$0x3] =	wrdreg s5  }
0xaa: {  	[dreg:$0x4] =	wrdreg $0xC0  }
0xab: {  	_ =	task [dreg:s7], $0x5FFFF  }
0xac: {  	[dreg:$0x1] =	wrdreg $0xFFFFFFFF  }
0xad: {  	[dreg:$0x0] =	wrdreg $0x60  }
0xae: {  	[dreg:$0x2] =	wrdreg s2  }
0xaf: {  	[dreg:$0x3] =	wrdreg s24  }
0xb0: {  	[dreg:$0x4] =	wrdreg $0x0  }
0xb1: {  	[dreg:$0x5] =	wrdreg $0x9  }
0xb2: {  	_ =	task.clear_ibuf [dreg:s7], $0x6FFFF;
	_ =	strace $0x90000046  }
0xb3: {  	s29 =	simm.s32 $0x9;
	_ =	strace $0x80000048  }
0xb4: {  	_ =	swait.ge [sflag:s29], $0x1  }
0xb5: {  	[sflag:s29] =	ssyncadd.s32 $0xFFFFFFFF  }
0xb6: {  	_ =	strace $0x90000048  }
0xb7: {  	_ =	sfence  }
0xb8: {  	s30 =	sld [smem:$0x0];
	_ =	sdelay $0x2  }
0xb9: {  	s31 =	sshll.u32 s1, $0xD;
	s1 =	sshrl.u32 s1, $0x2  }
0xba: {  	s3 =	sand.u32 $0x4000, s31;
	s1 =	sadd.s32 s1, s30  }
0xbb: {  	s0 =	sor.u32 s3, s0;
	s1 =	sshll.u32 s1, $0x11  }
0xbc: {  	s0 =	sor.u32 s1, s0  }
0xbd: {  	s0 =	sadd.s32 $0x8F2B, s0  }
0xbe: {  	[sflag:s0] =	ssyncadd.remote.s32 $0x1  }
0xbf: {  	_ =	sfence.sel $0xFFFF  }
0xc0: {  	[dreg:$0x0] =	wrdreg $0xFFFFFFFF;
	(pc) =	sbr.abs _section_cstart, $3  }
0xc1: {  	[dreg:$0x1] =	wrdreg $0xFFFFFFFF  }
0xc2: {  	_ =	task.clear_ibuf [dreg:s7], $0x2FFFF;
	_ =	strace $0x9FFFFFFF  }
0xc3: {  	(tm) =	ssettm $0x7FFFFFFF  }
tec
execute0_lowered:
.L_overlay_start_1:
0x0: {  	(tag) =	ssettag $0x1  }
0x1: {  	s4 =	rddreg [dreg:$0x0]  }
0x2: {  	s5 =	rddreg [dreg:$0x1]  }
0x3: {  	s1 =	srdreg.scid;
	s0 =	stileid.u32  }
0x4: {  	s2 =	rddreg [dreg:$0x2];
	s3 =	simm.s32 $0x0;
	s16 =	simm.s32 $0x16800  }
0x5: {  	s17 =	simm.s32 $0x14080;
	s18 =	simm.s32 $0x1A800;
	s19 =	simm.s32 $0x1  }
0x6: {  	s20 =	simm.s32 $0x2;
	s21 =	simm.s32 $0x3;
	s22 =	simm.s32 $0x4  }
0x7: {  	s23 =	simm.s32 $0x0;
	s8 =	sand.u32 $0x1, s1;
	s10 =	smul.u32 $0x50000, s0  }
0x8: {  	s6 =	sshll.u32 s0, $0x1;
	s1 =	rddreg [dreg:$0x3];
	s12 =	smul.u32 $0x2800, s0  }
0x9: {  	[smem:$0x7FF] =	sst s3;
	s11 =	sadd.s32 $0x3D200, s5;
	s13 =	smul.u32 $0xA0, s0  }
0xa: {  	s26 =	sshll.u32 s0, $0x6;
	s6 =	sor.u32 s8, s6;
	s15 =	smul.u32 $0x50, s8  }
0xb: {  	_ =	strace $0x80000047;
	s9 =	ssub.s32 $0x2, s8;
	s30 =	smul.u32 $0x28000, s8  }
0xc: {  	s7 =	smul.u32 $0x500, s6;
	s24 =	sshrl.u32 s9, $0x1;
	s25 =	sshrl.u32 s10, $0x2  }
0xd: {  	s4 =	sadd.s32 s4, s12;
	s28 =	smul.u32 $0x28000, s6;
	s9 =	ssub.s32 s9, s24  }
0xe: {  	s14 =	sadd.s32 s25, s2;
	s29 =	sadd.s32 s15, s13;
	s13 =	simm.s32 $0x5  }
0xf: {  	s15 =	simm.s32 $0x80;
	s7 =	sadd.s32 s7, s5;
	s12 =	sadd.s32 s11, s28  }
0x10: {  	s6 =	sadd.s32 $0x33200, s7;
	s7 =	smax.u32 s9, $0x1;
	s9 =	sshll.u32 s29, $0xB  }
0x11: {  	s5 =	sor.u32 $0x1C05, s26;
	s8 =	sadd.s32 $0x27000, s12;
	s31 =	sadd.s32 s9, s11  }
0x12: {  	s11 =	sadd.s32 s10, s11;
	s9 =	sadd.s32 $0x27800, s12;
	s12 =	sshrl.u32 s14, $0x3  }
0x13: {  	s14 =	simm.s32 $0x14000;
	s10 =	sadd.s32 $0x800, s31;
	s11 =	sadd.s32 s30, s11  }
.LBB2_1:
0x14: {  	[spmem:s12], [sflag:s5] =	dma.local [hbm:s4], $0x2800  }
0x15: {  	_ =	swait.ge [sflag:s13], $0x2800  }
0x16: {  	[sflag:s13] =	ssyncset.done $0x0  }
0x17: {  	[sflag:s13] =	ssyncadd.s32 $0xFFFFD800  }
0x18: {  	[tilespmem:s14], [sflag:$0x5] =	stream.linear.gather [hbm4b:s6+s3], $0x2800, $0x38;
	[tilespmem:$0x1E800] =	vst v63  }
0x19: {  	_ =	swait.ge [sflag:s13], $0x2800  }
0x1a: {  	[sflag:s13] =	ssyncset.done $0x0  }
0x1b: {  	[sflag:s13] =	ssyncadd.s32 $0xFFFFD800  }
0x1c: {  	[bflag:$0x0] =	sbarrier.arrive $0xFFFF  }
0x1d: {  	[tilespmem:s16], [sflag:$0x1] =	stream.indirect.gather [spmem:s2], $0x80, s14, s15, $0xb8;
	[tilespmem:$0x1E800] =	vst v63  }
0x1e: {  	_ = 	snop  }
0x1f: {  	[tilespmem:s18], [sflag:$0x2] =	stream.indirect.gather [spmem:s2], $0x80, s17, s15, $0xb8;
	[tilespmem:$0x1E800] =	vst v63  }
0x20: {  	_ =	swait.ge [sflag:s19], $0x4000  }
0x21: {  	[sflag:s19] =	ssyncset.done $0x0  }
0x22: {  	s24 =	sadd.s32 $0x0, s11;
	[sflag:s19] =	ssyncadd.s32 $0xFFFFC000  }
0x23: {  	[hbm4b:s24+s3] =	stream.linear.scatter [tilespmem:s16], [sflag:$0x3], $0x4000, $0x38;
	[tilespmem:$0x1E800] =	vst v63  }
0x24: {  	_ =	swait.ge [sflag:s20], $0x4000  }
0x25: {  	[sflag:s20] =	ssyncset.done $0x0  }
0x26: {  	s30 =	sadd.s32 $0x0, s10;
	[sflag:s20] =	ssyncadd.s32 $0xFFFFC000  }
0x27: {  	[hbm4b:s30+s3] =	stream.linear.scatter [tilespmem:s18], [sflag:$0x4], $0x4000, $0x38;
	[tilespmem:$0x1E800] =	vst v63  }
0x28: {  	_ =	swait.ge [sflag:s21], $0x4000  }
0x29: {  	[sflag:s21] =	ssyncset.done $0x0  }
0x2a: {  	s31 =	simm.s32 $0x14100;
	[sflag:s21] =	ssyncadd.s32 $0xFFFFC000  }
0x2b: {  	[tilespmem:s16], [sflag:$0x1] =	stream.indirect.gather [spmem:s2], $0x80, s31, s15, $0xb8;
	[tilespmem:$0x1E800] =	vst v63  }
0x2c: {  	_ =	swait.ge [sflag:s22], $0x4000  }
0x2d: {  	s25 =	simm.s32 $0x1000;
	[sflag:s22] =	ssyncset.done $0x0  }
0x2e: {  	s26 =	simm.s32 $0x14280;
	s24 =	simm.s32 $0x14180;
	[sflag:s22] =	ssyncadd.s32 $0xFFFFC000  }
.LBB2_2:
0x2f: {  	[tilespmem:s18], [sflag:$0x2] =	stream.indirect.gather [spmem:s2], $0x80, s24, s15, $0xb8;
	[tilespmem:$0x1E800] =	vst v63  }
0x30: {  	s28 =	smov.u32 s25;
	s24 =	smov.u32 s26  }
0x31: {  	p0 =	sne.s32 s25, $0x26000;
	s25 =	sadd.s32 $0x1000, s25;
	_ =	swait.ge [sflag:s19], $0x4000  }
0x32: {  	[sflag:s19] =	ssyncset.done $0x0  }
0x33: {  	s29 =	sadd.s32 s28, s11;
	[sflag:s19] =	ssyncadd.s32 $0xFFFFC000  }
0x34: {  	[hbm4b:s29+s3] =	stream.linear.scatter [tilespmem:s16], [sflag:$0x3], $0x4000, $0x38;
	[tilespmem:$0x1E800] =	vst v63  }
0x35: {  	_ =	swait.ge [sflag:s20], $0x4000  }
0x36: {  	[sflag:s20] =	ssyncset.done $0x0  }
0x37: {  	s28 =	sadd.s32 s28, s10;
	[sflag:s20] =	ssyncadd.s32 $0xFFFFC000  }
0x38: {  	[hbm4b:s28+s3] =	stream.linear.scatter [tilespmem:s18], [sflag:$0x4], $0x4000, $0x38;
	[tilespmem:$0x1E800] =	vst v63  }
0x39: {  	_ =	swait.ge [sflag:s21], $0x4000  }
0x3a: {  	[sflag:s21] =	ssyncset.done $0x0  }
.Ltmp0:
0x3b: {  	s28 =	sadd.s32 $0xFFFFFF80, s26;
	[sflag:s21] =	ssyncadd.s32 $0xFFFFC000;
	(pc) =	sbr.rel @p0 .LBB2_2-.Ltmp0, $4  }
0x3c: {  	[tilespmem:s16], [sflag:$0x1] =	stream.indirect.gather [spmem:s2], $0x80, s28, s15, $0xb8;
	[tilespmem:$0x1E800] =	vst v63  }
0x3d: {  	_ =	swait.ge [sflag:s22], $0x4000  }
0x3e: {  	[sflag:s22] =	ssyncset.done $0x0  }
0x3f: {  	s26 =	sadd.s32 $0x100, s26;
	[sflag:s22] =	ssyncadd.s32 $0xFFFFC000  }
0x40: {  	[tilespmem:s18], [sflag:$0x2] =	stream.indirect.gather [spmem:s2], $0x80, s24, s15, $0xb8;
	[tilespmem:$0x1E800] =	vst v63  }
0x41: {  	_ =	swait.ge [sflag:s19], $0x4000  }
0x42: {  	[sflag:s19] =	ssyncset.done $0x0  }
0x43: {  	[sflag:s19] =	ssyncadd.s32 $0xFFFFC000  }
0x44: {  	[hbm4b:s8+s3] =	stream.linear.scatter [tilespmem:s16], [sflag:$0x3], $0x4000, $0x38;
	[tilespmem:$0x1E800] =	vst v63  }
0x45: {  	_ =	swait.ge [sflag:s20], $0x4000  }
0x46: {  	[sflag:s20] =	ssyncset.done $0x0  }
0x47: {  	s23 =	sadd.s32 $0x1, s23;
	[sflag:s20] =	ssyncadd.s32 $0xFFFFC000  }
0x48: {  	[hbm4b:s9+s3] =	stream.linear.scatter [tilespmem:s18], [sflag:$0x4], $0x4000, $0x38;
	[tilespmem:$0x1E800] =	vst v63  }
0x49: {  	p0 =	sne.s32 s23, s7;
	_ =	swait.ge [sflag:s21], $0x4000  }
.Ltmp1:
0x4a: {  	[sflag:s21] =	ssyncset.done $0x0;
	(pc) =	sbr.rel @p0 .LBB2_1-.Ltmp1, $4  }
0x4b: {  	[sflag:s21] =	ssyncadd.s32 $0xFFFFC000  }
0x4c: {  	_ =	swait.ge [sflag:s22], $0x4000  }
0x4d: {  	[sflag:s22] =	ssyncset.done $0x0  }
0x4e: {  	[sflag:s22] =	ssyncadd.s32 $0xFFFFC000  }
0x4f: {  	_ =	sfence.sel $0x180000  }
0x50: {  	[bflag:$0x0] =	sbarrier.arrive $0xFFFF  }
0x51: {  	p0 =	sne.s32 s0, $0x0;
	_ =	strace $0x90000047  }
0x52: {  	s0 =	sadd.s32 @!p0 $0x100000, s1;
	[bflag:$0x2] =	sbarrier.arrive $0xFFFF  }
0x53: {  	[sflag:s0] =	ssyncadd.tile.s32 @!p0 $0x1;
	_ =	shalt  }
.Lfunc_end2:
_tile_overlayer_lowered:
.L_overlay_start_2:
0x54: {  	(tag) =	ssettag $0x2  }
0x55: {  	s0 =	rddreg [dreg:$0x0];
	s2 =	stileid.u32  }
0x56: {  	s1 =	rddreg [dreg:$0x1];
	p0 =	sne.s32 s2, $0x0  }
0x57: {  	s3 =	rddreg [dreg:$0x2];
	[bflag:$0x3] =	sbarrier.arrive $0xFFFF;
	s2 =	simm.s32 @!p0 $0x1C05  }
0x58: {  	[timem:s3], [sflag:s2] =	dma.local @!p0 [hbm:s0], s1  }
0x59: {  	s0 =	simm.s32 @!p0 $0x5  }
0x5a: {  	_ =	swait.ge @!p0 [sflag:s0], s1  }
0x5b: {  	s1 =	ssub.s32 @!p0 $0x0, s1;
	[sflag:s0] =	ssyncset.done @!p0 $0x0  }
0x5c: {  	[sflag:s0] =	ssyncadd.s32 @!p0 s1  }
0x5d: {  	[bflag:$0x3] =	sbarrier.arrive $0xFFFF  }
0x5e: {  	_ =	shalt  }

</sc_bundles>
